<compile_context>
chip_gen: v7x
topology: tpu7x:2x2x1
jax: 0.10.2.dev20260603
libtpu: 0.0.44.dev20260713+nightly
codegen_flags: <defaults>
</compile_context>

<pallas_src>
import functools

import jax
import jax.numpy as jnp
from jax import lax
from jax.experimental import pallas as pl
from jax.experimental.pallas import tpu as pltpu
from jax.experimental.pallas import tpu_sc as plsc

N = 10000
NP = 10240
E = 320000
D = 128
B_ROOT = 128
NTILES = 16
K = 128
NCH = 158
EP = NTILES * NCH * K
EPT = EP // NTILES
ROWS_PT = NP // NTILES
DEGW = 16

_mesh = plsc.VectorSubcoreMesh(core_axis_name="c", subcore_axis_name="s")


def _sc_deg_body(dst_hbm, zeros16_hbm, out_hbm, acc, dstbuf0, dstbuf1,
                 dst2_0, dst2_1, onesbuf, sem_i0, sem_i1, sem_s0, sem_s1):
    c = lax.axis_index("c")
    t = lax.axis_index("s")
    pltpu.sync_copy(zeros16_hbm.at[pl.ds(t * ROWS_PT, ROWS_PT)],
                    acc.at[pl.ds(t * ROWS_PT, ROWS_PT)])

    def fill(r, carry):
        onesbuf[r, :] = jnp.ones((DEGW,), jnp.float32)
        return carry
    lax.fori_loop(0, K, fill, 0)
    plsc.subcore_barrier()

    base = t * EPT
    dbuf = (dstbuf0, dstbuf1)
    d2buf = (dst2_0, dst2_1)
    def body(g2, carry):
        for b in (0, 1):
            g = g2 * 2 + b
            pltpu.sync_copy(dst_hbm.at[c].at[pl.ds(base + g * K, K)], dbuf[b])

            def prep(j, carry2):
                sl = pl.ds(j * 16, 16)
                d2buf[b][sl] = dbuf[b][sl]
                return carry2
            lax.fori_loop(0, K // 16, prep, 0)

            pltpu.sync_copy(onesbuf, acc.at[d2buf[b]], add=True)
        return carry
    lax.fori_loop(0, NCH // 2, body, 0)
    plsc.subcore_barrier()
    pl.delay(20000)
    plsc.subcore_barrier()

    pltpu.sync_copy(acc.at[pl.ds(t * ROWS_PT, ROWS_PT)],
                    out_hbm.at[c].at[pl.ds(t * ROWS_PT, ROWS_PT)])


_sc_deg = functools.partial(
    pl.kernel,
    out_type=jax.ShapeDtypeStruct((2, NP, DEGW), jnp.float32),
    mesh=_mesh,
    scratch_types=[
        pltpu.VMEM_SHARED((NP, DEGW), jnp.float32),
        pltpu.VMEM((K,), jnp.int32),
        pltpu.VMEM((K,), jnp.int32),
        pltpu.VMEM((K,), jnp.int32),
        pltpu.VMEM((K,), jnp.int32),
        pltpu.VMEM((K, DEGW), jnp.float32),
        pltpu.SemaphoreType.DMA,
        pltpu.SemaphoreType.DMA,
        pltpu.SemaphoreType.DMA,
        pltpu.SemaphoreType.DMA,
    ],
)(_sc_deg_body)


def _sc_spmm_body(hflat_hbm, src_hbm, dst_hbm, zeros_hbm, out_hbm,
                  acc, srcbuf0, srcbuf1, dstbuf0, dstbuf1, dst2_0, dst2_1,
                  rowbuf0, rowbuf1, sem_i0, sem_i1, sem_g0, sem_g1,
                  sem_s0, sem_s1):
    c = lax.axis_index("c")
    t = lax.axis_index("s")
    pltpu.sync_copy(zeros_hbm.at[pl.ds(t * ROWS_PT, ROWS_PT)],
                    acc.at[pl.ds(t * ROWS_PT, ROWS_PT)])
    plsc.subcore_barrier()

    base = t * EPT
    off = c * NP
    sbuf = (srcbuf0, srcbuf1)
    dbuf = (dstbuf0, dstbuf1)
    d2buf = (dst2_0, dst2_1)
    rbuf = (rowbuf0, rowbuf1)
    def body(g2, carry):
        for b in (0, 1):
            g = g2 * 2 + b
            pltpu.sync_copy(src_hbm.at[c].at[pl.ds(base + g * K, K)], sbuf[b])
            pltpu.sync_copy(dst_hbm.at[c].at[pl.ds(base + g * K, K)], dbuf[b])

            def prep(j, carry2):
                sl = pl.ds(j * 16, 16)
                sbuf[b][sl] = sbuf[b][sl] + off
                d2buf[b][sl] = dbuf[b][sl]
                return carry2
            lax.fori_loop(0, K // 16, prep, 0)

            pltpu.sync_copy(hflat_hbm.at[sbuf[b]], rbuf[b])
            pltpu.sync_copy(rbuf[b], acc.at[d2buf[b]], add=True)
        return carry
    lax.fori_loop(0, NCH // 2, body, 0)
    plsc.subcore_barrier()
    pl.delay(20000)
    plsc.subcore_barrier()

    pltpu.sync_copy(acc.at[pl.ds(t * ROWS_PT, ROWS_PT)],
                    out_hbm.at[c].at[pl.ds(t * ROWS_PT, ROWS_PT)])


_sc_spmm = functools.partial(
    pl.kernel,
    out_type=jax.ShapeDtypeStruct((2, NP, D), jnp.float32),
    mesh=_mesh,
    scratch_types=[
        pltpu.VMEM_SHARED((NP, D), jnp.float32),
        pltpu.VMEM((K,), jnp.int32),
        pltpu.VMEM((K,), jnp.int32),
        pltpu.VMEM((K,), jnp.int32),
        pltpu.VMEM((K,), jnp.int32),
        pltpu.VMEM((K,), jnp.int32),
        pltpu.VMEM((K,), jnp.int32),
        pltpu.VMEM((K, D), jnp.float32),
        pltpu.VMEM((K, D), jnp.float32),
        pltpu.SemaphoreType.DMA,
        pltpu.SemaphoreType.DMA,
        pltpu.SemaphoreType.DMA,
        pltpu.SemaphoreType.DMA,
        pltpu.SemaphoreType.DMA,
        pltpu.SemaphoreType.DMA,
    ],
)(_sc_spmm_body)


def _sc_root_body(hflat_hbm, root_hbm, out_hbm, idxbuf, rbuf):
    c = lax.axis_index("c")
    t = lax.axis_index("s")

    @pl.when(t == 0)
    def _():
        pltpu.sync_copy(root_hbm, idxbuf)

        def shift(j, carry):
            idxbuf[pl.ds(j * 16, 16)] = idxbuf[pl.ds(j * 16, 16)] + c * NP
            return carry
        lax.fori_loop(0, B_ROOT // 16, shift, 0)
        pltpu.sync_copy(hflat_hbm.at[idxbuf], rbuf)
        pltpu.sync_copy(rbuf, out_hbm.at[c])


BLK = 640
NB = NP // BLK


def _tc_prep_body(deg_ref, x_ref, w_ref, dinv_ref, h1_ref):
    deg = deg_ref[0, :, 0]
    dinv = lax.rsqrt(deg + 1.0)
    h = jnp.dot(x_ref[...], w_ref[0], preferred_element_type=jnp.float32)
    dinv_ref[0, :, 0] = dinv
    h1_ref[0] = h * dinv[:, None]


def _tc_mid_body(acc_ref, h1_ref, dinv_ref, b_ref, w_ref, h2_ref):
    dinv = dinv_ref[0]
    t = dinv * (acc_ref[0] + h1_ref[0]) + b_ref[0]
    h = jnp.where(t > 0, t, jnp.exp(t) - 1.0)
    h2_ref[0] = jnp.dot(h, w_ref[0], preferred_element_type=jnp.float32) * dinv


def _tc_post_body(acc_ref, h2_ref, dinv_ref, b_ref, out_ref):
    dinv = dinv_ref[0]
    t = dinv * (acc_ref[0] + h2_ref[0]) + b_ref[0]
    out_ref[0] = jnp.where(t > 0, t, jnp.exp(t) - 1.0)


def _tc_fc_body(r_ref, w_ref, b_ref, out_ref):
    cat = jnp.concatenate([r_ref[0], r_ref[1]], axis=1)
    o = jnp.dot(cat, w_ref[...], preferred_element_type=jnp.float32) + b_ref[...]
    m = jnp.max(o, axis=1, keepdims=True)
    lse = jnp.log(jnp.sum(jnp.exp(o - m), axis=1, keepdims=True)) + m
    out_ref[...] = o - lse


def _tc_prep(deg, x, wst):
    return pl.pallas_call(
        _tc_prep_body,
        grid=(2, NB),
        in_specs=[
            pl.BlockSpec((1, BLK, DEGW), lambda c, j: (c, j, 0)),
            pl.BlockSpec((BLK, D), lambda c, j: (j, 0)),
            pl.BlockSpec((1, D, D), lambda c, j: (c, 0, 0)),
        ],
        out_specs=[
            pl.BlockSpec((1, BLK, 1), lambda c, j: (c, j, 0)),
            pl.BlockSpec((1, BLK, D), lambda c, j: (c, j, 0)),
        ],
        out_shape=[
            jax.ShapeDtypeStruct((2, NP, 1), jnp.float32),
            jax.ShapeDtypeStruct((2, NP, D), jnp.float32),
        ],
    )(deg, x, wst)


def _tc_mid(acc, h1, dinv, bst, wst):
    return pl.pallas_call(
        _tc_mid_body,
        grid=(2, NB),
        in_specs=[
            pl.BlockSpec((1, BLK, D), lambda c, j: (c, j, 0)),
            pl.BlockSpec((1, BLK, D), lambda c, j: (c, j, 0)),
            pl.BlockSpec((1, BLK, 1), lambda c, j: (c, j, 0)),
            pl.BlockSpec((1, 1, D), lambda c, j: (c, 0, 0)),
            pl.BlockSpec((1, D, D), lambda c, j: (c, 0, 0)),
        ],
        out_specs=pl.BlockSpec((1, BLK, D), lambda c, j: (c, j, 0)),
        out_shape=jax.ShapeDtypeStruct((2, NP, D), jnp.float32),
    )(acc, h1, dinv, bst, wst)


def _tc_post(acc, h2, dinv, bst):
    return pl.pallas_call(
        _tc_post_body,
        grid=(2, NB),
        in_specs=[
            pl.BlockSpec((1, BLK, D), lambda c, j: (c, j, 0)),
            pl.BlockSpec((1, BLK, D), lambda c, j: (c, j, 0)),
            pl.BlockSpec((1, BLK, 1), lambda c, j: (c, j, 0)),
            pl.BlockSpec((1, 1, D), lambda c, j: (c, 0, 0)),
        ],
        out_specs=pl.BlockSpec((1, BLK, D), lambda c, j: (c, j, 0)),
        out_shape=jax.ShapeDtypeStruct((2, NP, D), jnp.float32),
    )(acc, h2, dinv, bst)


def _tc_fc(r, wfc_pad, bfc_pad):
    return pl.pallas_call(
        _tc_fc_body,
        out_shape=jax.ShapeDtypeStruct((B_ROOT, D), jnp.float32),
    )(r, wfc_pad, bfc_pad)


_sc_root = functools.partial(
    pl.kernel,
    out_type=jax.ShapeDtypeStruct((2, B_ROOT, D), jnp.float32),
    mesh=_mesh,
    scratch_types=[
        pltpu.VMEM((B_ROOT,), jnp.int32),
        pltpu.VMEM((B_ROOT, D), jnp.float32),
    ],
)(_sc_root_body)


def kernel(x, edge_index, BU_edge_index, rootindex,
           W1, b1, W2, b2, W3, b3, W4, b4, Wfc, bfc):
    pad = jnp.full((2, EP - E), N, jnp.int32)
    src_all = jnp.concatenate(
        [jnp.stack([edge_index[0], BU_edge_index[0]]), pad], axis=1)
    dst_all = jnp.concatenate(
        [jnp.stack([edge_index[1], BU_edge_index[1]]), pad], axis=1)
    wst1 = jnp.stack([W1, W3])
    wst2 = jnp.stack([W2, W4])
    bst1 = jnp.stack([b1, b3]).reshape(2, 1, D)
    bst2 = jnp.stack([b2, b4]).reshape(2, 1, D)
    x_pad = jnp.concatenate([x, jnp.zeros((NP - N, D), jnp.float32)])
    zeros = jnp.zeros((NP, D), jnp.float32)
    zeros16 = jnp.zeros((NP, DEGW), jnp.float32)
    wfc_pad = jnp.zeros((2 * D, D), jnp.float32).at[:, :4].set(Wfc)
    bfc_pad = jnp.full((D,), -1e30, jnp.float32).at[:4].set(bfc)

    deg = _sc_deg(dst_all, zeros16)
    dinv, h1 = _tc_prep(deg, x_pad, wst1)
    acc1 = _sc_spmm(h1.reshape(2 * NP, D), src_all, dst_all, zeros)
    h2 = _tc_mid(acc1, h1, dinv, bst1, wst2)
    acc2 = _sc_spmm(h2.reshape(2 * NP, D), src_all, dst_all, zeros)
    full = _tc_post(acc2, h2, dinv, bst2)
    roots = _sc_root(full.reshape(2 * NP, D), rootindex)
    out = _tc_fc(roots, wfc_pad, bfc_pad)
    return out[:, :4]

# --- scband reference (transcript-rebuilt; emitter-appended) ---
"""Pipeline reference for scband-gcn-27797028339919 (READ-ONLY COPY).

The authoritative reference and input builder live on the scoring server;
editing this copy changes nothing except your own understanding.
"""

import jax, jax.numpy as jnp
import numpy as np

N = 10000
E = 320000
D_IN = 128
D_H = 128
D_OUT = 128
N_CLASS = 4
B_ROOT = 128


def gcn_conv(x, edge_index, W, b):
    # PyG GCNConv: x' = D^-1/2 (A + I) D^-1/2 (x W) + b
    num_nodes = x.shape[0]
    h = x @ W
    loop = jnp.arange(num_nodes, dtype=edge_index.dtype)
    src = jnp.concatenate([edge_index[0], loop])
    dst = jnp.concatenate([edge_index[1], loop])
    deg = jnp.zeros((num_nodes,), dtype=h.dtype).at[dst].add(1.0)
    dinv = jnp.where(deg > 0, deg ** -0.5, 0.0)
    norm = dinv[src] * dinv[dst]
    msg = h[src] * norm[:, None]
    out = jnp.zeros((num_nodes, h.shape[1]), dtype=h.dtype).at[dst].add(msg)
    return out + b


def setup_inputs(seed: int = 0):
    key = jax.random.key(seed)
    ks = jax.random.split(key, 16)
    x = jax.random.normal(ks[0], (N, D_IN), dtype=jnp.float32)
    edge_index = jax.random.randint(ks[1], (2, E), 0, N, dtype=jnp.int32)
    BU_edge_index = jax.random.randint(ks[2], (2, E), 0, N, dtype=jnp.int32)
    rootindex = jax.random.randint(ks[3], (B_ROOT,), 0, N, dtype=jnp.int32)
    def lin(k, fi, fo):
        return jax.random.normal(k, (fi, fo), dtype=jnp.float32) * (1.0 / np.sqrt(fi))
    W1 = lin(ks[4], D_IN, D_H); b1 = jnp.zeros((D_H,), jnp.float32)
    W2 = lin(ks[5], D_H, D_OUT); b2 = jnp.zeros((D_OUT,), jnp.float32)
    W3 = lin(ks[6], D_IN, D_H); b3 = jnp.zeros((D_H,), jnp.float32)
    W4 = lin(ks[7], D_H, D_OUT); b4 = jnp.zeros((D_OUT,), jnp.float32)
    Wfc = lin(ks[8], 2 * D_OUT, N_CLASS); bfc = jnp.zeros((N_CLASS,), jnp.float32)
    return {"x": x, "edge_index": edge_index, "BU_edge_index": BU_edge_index,
            "rootindex": rootindex, "W1": W1, "b1": b1, "W2": W2, "b2": b2,
            "W3": W3, "b3": b3, "W4": W4, "b4": b4, "Wfc": Wfc, "bfc": bfc}


def reference(x, edge_index, BU_edge_index, rootindex,
              W1, b1, W2, b2, W3, b3, W4, b4, Wfc, bfc):
    # top-down branch (dropout is identity in eval mode)
    h = jax.nn.elu(gcn_conv(x, edge_index, W1, b1))
    h = jax.nn.elu(gcn_conv(h, edge_index, W2, b2))
    h = h[rootindex]
    # bottom-up branch
    g = jax.nn.elu(gcn_conv(x, BU_edge_index, W3, b3))
    g = jax.nn.elu(gcn_conv(g, BU_edge_index, W4, b4))
    g = g[rootindex]
    out = jnp.concatenate([h, g], axis=1) @ Wfc + bfc
    return jax.nn.log_softmax(out, axis=1)

if __name__ == "__main__":
    import jax
    _d = setup_inputs()
    print(jax.jit(kernel)(*tuple(_d.values())))

</pallas_src>

<mosaic_0001>
#map = affine_map<(d0, d1) -> (0, 0)>
#map1 = affine_map<(d0, d1) -> (0, 0, 0)>
module attributes {stable_mosaic.version = 14 : i64} {
  func.func @_sc_spmm_body(%arg0: i32, %arg1: i32, %arg2: memref<20480x128xf32, #tpu.memory_space<hbm>>, %arg3: memref<2x323584xi32, #tpu.memory_space<hbm>>, %arg4: memref<2x323584xi32, #tpu.memory_space<hbm>>, %arg5: memref<10240x128xf32, #tpu.memory_space<hbm>>, %arg6: memref<2x10240x128xf32, #tpu.memory_space<hbm>>, %arg7: memref<10240x128xf32, #tpu.memory_space<vmem_shared>>, %arg8: memref<128xi32, #tpu.memory_space<vmem>>, %arg9: memref<128xi32, #tpu.memory_space<vmem>>, %arg10: memref<128xi32, #tpu.memory_space<vmem>>, %arg11: memref<128xi32, #tpu.memory_space<vmem>>, %arg12: memref<128xi32, #tpu.memory_space<vmem>>, %arg13: memref<128xi32, #tpu.memory_space<vmem>>, %arg14: memref<128x128xf32, #tpu.memory_space<vmem>>, %arg15: memref<128x128xf32, #tpu.memory_space<vmem>>, %arg16: memref<!tpu.dma_semaphore, #tpu.memory_space<semaphore_mem>>, %arg17: memref<!tpu.dma_semaphore, #tpu.memory_space<semaphore_mem>>, %arg18: memref<!tpu.dma_semaphore, #tpu.memory_space<semaphore_mem>>, %arg19: memref<!tpu.dma_semaphore, #tpu.memory_space<semaphore_mem>>, %arg20: memref<!tpu.dma_semaphore, #tpu.memory_space<semaphore_mem>>, %arg21: memref<!tpu.dma_semaphore, #tpu.memory_space<semaphore_mem>>) attributes {dimension_semantics = [#tpu.dimension_semantics<core_parallel>, #tpu.dimension_semantics<subcore_parallel>], iteration_bounds = array<i64: 2, 16>, scalar_prefetch = 0 : i64, scratch_operands = 15 : i64, tpu.core_type = #tpu.core_type<sc_vector_subcore>, window_params = [{transform_indices = #map}, {transform_indices = #map}, {transform_indices = #map}, {transform_indices = #map}, {transform_indices = #map1}]} {
    %mul3A = arith.constant 640 : i32
    %mul3A_0 = arith.muli %arg1, %mul3A : i32
    %mul3A_1 = arith.constant 640 : i32
    %mul3A_2 = arith.muli %arg1, %mul3A_1 : i32
    "tpu.region"() ({
      %run_scoped3A = tpu.sem_alloc : memref<!tpu.dma_semaphore, #tpu.memory_space<semaphore_mem>>
      %dma_start3A = arith.constant 0 : i32
      %dma_start3A_18 = tpu.memref_slice %arg7[%mul3A_2, %dma_start3A] : memref<10240x128xf32, #tpu.memory_space<vmem_shared>> -> memref<640x128xf32, #tpu.memory_space<vmem_shared>>
      %dma_start3A_19 = arith.constant 0 : i32
      %dma_start3A_20 = tpu.memref_slice %arg5[%mul3A_0, %dma_start3A_19] : memref<10240x128xf32, #tpu.memory_space<hbm>> -> memref<640x128xf32, #tpu.memory_space<hbm>>
      tpu.enqueue_dma source(%dma_start3A_20 : memref<640x128xf32, #tpu.memory_space<hbm>>) target(%dma_start3A_18 : memref<640x128xf32, #tpu.memory_space<vmem_shared>>) target_semaphore(%run_scoped3A : memref<!tpu.dma_semaphore, #tpu.memory_space<semaphore_mem>>)
      %dma_wait3A = arith.constant 0 : i32
      %dma_wait3A_21 = tpu.memref_slice %arg7[%mul3A_2, %dma_wait3A] : memref<10240x128xf32, #tpu.memory_space<vmem_shared>> -> memref<640x128xf32, #tpu.memory_space<vmem_shared>>
      %dma_wait3A_22 = arith.constant 0 : i32
      %dma_wait3A_23 = tpu.memref_slice %arg5[%mul3A_0, %dma_wait3A_22] : memref<10240x128xf32, #tpu.memory_space<hbm>> -> memref<640x128xf32, #tpu.memory_space<hbm>>
      tpu.wait_dma2 semaphore(%run_scoped3A : memref<!tpu.dma_semaphore, #tpu.memory_space<semaphore_mem>>) src(%dma_wait3A_23 : memref<640x128xf32, #tpu.memory_space<hbm>>) dst(%dma_wait3A_21 : memref<640x128xf32, #tpu.memory_space<vmem_shared>>)
      tpu.yield
    }) : () -> ()
    %barrier3A = arith.constant 0 : index
    tpu.barrier barrier_id(%barrier3A)
    %mul3A_3 = arith.constant 20224 : i32
    %mul3A_4 = arith.muli %arg1, %mul3A_3 : i32
    %mul3A_5 = arith.constant 10240 : i32
    %mul3A_6 = arith.muli %arg0, %mul3A_5 : i32
    %scan3A = arith.constant 0 : i32
    %scan3A_7 = arith.constant 0 : i32
    %scan3A_8 = arith.constant 79 : i32
    %scan3A_9 = arith.addi %scan3A_7, %scan3A_8 : i32
    %scan3A_10 = arith.constant 1 : i32
    scf.for %scan3A_18 = %scan3A_7 to %scan3A_9 step %scan3A_10  : i32 {
      %mul3A_19 = arith.constant 2 : i32
      %mul3A_20 = arith.muli %scan3A_18, %mul3A_19 : i32
      %add3A = arith.constant 0 : i32
      %add3A_21 = arith.addi %mul3A_20, %add3A : i32
      %mul3A_22 = arith.constant 128 : i32
      %mul3A_23 = arith.muli %add3A_21, %mul3A_22 : i32
      %add3A_24 = arith.addi %mul3A_4, %mul3A_23 : i32
      "tpu.region"() ({
        %run_scoped3A = tpu.sem_alloc : memref<!tpu.dma_semaphore, #tpu.memory_space<semaphore_mem>>
        %dma_start3A = arith.constant 0 : i32
        %dma_start3A_50 = tpu.memref_slice %arg3[%arg0, %dma_start3A] : memref<2x323584xi32, #tpu.memory_space<hbm>> -> memref<1x323584xi32, #tpu.memory_space<hbm>>
        %dma_start3A_51 = tpu.memref_squeeze %dma_start3A_50 : memref<1x323584xi32, #tpu.memory_space<hbm>> -> memref<323584xi32, #tpu.memory_space<hbm>>
        %dma_start3A_52 = tpu.memref_slice %dma_start3A_51[%add3A_24] : memref<323584xi32, #tpu.memory_space<hbm>> -> memref<128xi32, #tpu.memory_space<hbm>>
        %dma_start3A_53 = arith.constant 0 : i32
        %dma_start3A_54 = tpu.memref_slice %arg3[%arg0, %dma_start3A_53] : memref<2x323584xi32, #tpu.memory_space<hbm>> -> memref<1x323584xi32, #tpu.memory_space<hbm>>
        %dma_start3A_55 = tpu.memref_squeeze %dma_start3A_54 : memref<1x323584xi32, #tpu.memory_space<hbm>> -> memref<323584xi32, #tpu.memory_space<hbm>>
        %dma_start3A_56 = tpu.memref_slice %dma_start3A_55[%add3A_24] : memref<323584xi32, #tpu.memory_space<hbm>> -> memref<128xi32, #tpu.memory_space<hbm>>
        tpu.enqueue_dma source(%dma_start3A_56 : memref<128xi32, #tpu.memory_space<hbm>>) target(%arg8 : memref<128xi32, #tpu.memory_space<vmem>>) target_semaphore(%run_scoped3A : memref<!tpu.dma_semaphore, #tpu.memory_space<semaphore_mem>>)
        %dma_wait3A = arith.constant 0 : i32
        %dma_wait3A_57 = tpu.memref_slice %arg3[%arg0, %dma_wait3A] : memref<2x323584xi32, #tpu.memory_space<hbm>> -> memref<1x323584xi32, #tpu.memory_space<hbm>>
        %dma_wait3A_58 = tpu.memref_squeeze %dma_wait3A_57 : memref<1x323584xi32, #tpu.memory_space<hbm>> -> memref<323584xi32, #tpu.memory_space<hbm>>
        %dma_wait3A_59 = tpu.memref_slice %dma_wait3A_58[%add3A_24] : memref<323584xi32, #tpu.memory_space<hbm>> -> memref<128xi32, #tpu.memory_space<hbm>>
        %dma_wait3A_60 = arith.constant 0 : i32
        %dma_wait3A_61 = tpu.memref_slice %arg3[%arg0, %dma_wait3A_60] : memref<2x323584xi32, #tpu.memory_space<hbm>> -> memref<1x323584xi32, #tpu.memory_space<hbm>>
        %dma_wait3A_62 = tpu.memref_squeeze %dma_wait3A_61 : memref<1x323584xi32, #tpu.memory_space<hbm>> -> memref<323584xi32, #tpu.memory_space<hbm>>
        %dma_wait3A_63 = tpu.memref_slice %dma_wait3A_62[%add3A_24] : memref<323584xi32, #tpu.memory_space<hbm>> -> memref<128xi32, #tpu.memory_space<hbm>>
        tpu.wait_dma2 semaphore(%run_scoped3A : memref<!tpu.dma_semaphore, #tpu.memory_space<semaphore_mem>>) src(%dma_wait3A_63 : memref<128xi32, #tpu.memory_space<hbm>>) dst(%arg8 : memref<128xi32, #tpu.memory_space<vmem>>)
        tpu.yield
      }) : () -> ()
      %mul3A_25 = arith.constant 128 : i32
      %mul3A_26 = arith.muli %add3A_21, %mul3A_25 : i32
      %add3A_27 = arith.addi %mul3A_4, %mul3A_26 : i32
      "tpu.region"() ({
        %run_scoped3A = tpu.sem_alloc : memref<!tpu.dma_semaphore, #tpu.memory_space<semaphore_mem>>
        %dma_start3A = arith.constant 0 : i32
        %dma_start3A_50 = tpu.memref_slice %arg4[%arg0, %dma_start3A] : memref<2x323584xi32, #tpu.memory_space<hbm>> -> memref<1x323584xi32, #tpu.memory_space<hbm>>
        %dma_start3A_51 = tpu.memref_squeeze %dma_start3A_50 : memref<1x323584xi32, #tpu.memory_space<hbm>> -> memref<323584xi32, #tpu.memory_space<hbm>>
        %dma_start3A_52 = tpu.memref_slice %dma_start3A_51[%add3A_27] : memref<323584xi32, #tpu.memory_space<hbm>> -> memref<128xi32, #tpu.memory_space<hbm>>
        %dma_start3A_53 = arith.constant 0 : i32
        %dma_start3A_54 = tpu.memref_slice %arg4[%arg0, %dma_start3A_53] : memref<2x323584xi32, #tpu.memory_space<hbm>> -> memref<1x323584xi32, #tpu.memory_space<hbm>>
        %dma_start3A_55 = tpu.memref_squeeze %dma_start3A_54 : memref<1x323584xi32, #tpu.memory_space<hbm>> -> memref<323584xi32, #tpu.memory_space<hbm>>
        %dma_start3A_56 = tpu.memref_slice %dma_start3A_55[%add3A_27] : memref<323584xi32, #tpu.memory_space<hbm>> -> memref<128xi32, #tpu.memory_space<hbm>>
        tpu.enqueue_dma source(%dma_start3A_56 : memref<128xi32, #tpu.memory_space<hbm>>) target(%arg10 : memref<128xi32, #tpu.memory_space<vmem>>) target_semaphore(%run_scoped3A : memref<!tpu.dma_semaphore, #tpu.memory_space<semaphore_mem>>)
        %dma_wait3A = arith.constant 0 : i32
        %dma_wait3A_57 = tpu.memref_slice %arg4[%arg0, %dma_wait3A] : memref<2x323584xi32, #tpu.memory_space<hbm>> -> memref<1x323584xi32, #tpu.memory_space<hbm>>
        %dma_wait3A_58 = tpu.memref_squeeze %dma_wait3A_57 : memref<1x323584xi32, #tpu.memory_space<hbm>> -> memref<323584xi32, #tpu.memory_space<hbm>>
        %dma_wait3A_59 = tpu.memref_slice %dma_wait3A_58[%add3A_27] : memref<323584xi32, #tpu.memory_space<hbm>> -> memref<128xi32, #tpu.memory_space<hbm>>
        %dma_wait3A_60 = arith.constant 0 : i32
        %dma_wait3A_61 = tpu.memref_slice %arg4[%arg0, %dma_wait3A_60] : memref<2x323584xi32, #tpu.memory_space<hbm>> -> memref<1x323584xi32, #tpu.memory_space<hbm>>
        %dma_wait3A_62 = tpu.memref_squeeze %dma_wait3A_61 : memref<1x323584xi32, #tpu.memory_space<hbm>> -> memref<323584xi32, #tpu.memory_space<hbm>>
        %dma_wait3A_63 = tpu.memref_slice %dma_wait3A_62[%add3A_27] : memref<323584xi32, #tpu.memory_space<hbm>> -> memref<128xi32, #tpu.memory_space<hbm>>
        tpu.wait_dma2 semaphore(%run_scoped3A : memref<!tpu.dma_semaphore, #tpu.memory_space<semaphore_mem>>) src(%dma_wait3A_63 : memref<128xi32, #tpu.memory_space<hbm>>) dst(%arg10 : memref<128xi32, #tpu.memory_space<vmem>>)
        tpu.yield
      }) : () -> ()
      %scan3A_28 = arith.constant 0 : i32
      %scan3A_29 = arith.constant 0 : i32
      %scan3A_30 = arith.constant 8 : i32
      %scan3A_31 = arith.addi %scan3A_29, %scan3A_30 : i32
      %scan3A_32 = arith.constant 1 : i32
      scf.for %scan3A_50 = %scan3A_29 to %scan3A_31 step %scan3A_32  : i32 {
        %mul3A_51 = arith.constant 16 : i32
        %mul3A_52 = arith.muli %scan3A_50, %mul3A_51 : i32
        %get3A = arith.index_cast %mul3A_52 : i32 to index
        %get3A_53 = tpu.vector_load %arg8[%get3A] {strides = array<i32>} : memref<128xi32, #tpu.memory_space<vmem>>, vector<16xi32>,
        %get3A_54 = vector.shape_cast %get3A_53 : vector<16xi32> to vector<16xi32>
        %add3A_55 = vector.broadcast %mul3A_6 : i32 to vector<16xi32>
        %add3A_56 = arith.addi %get3A_54, %add3A_55 : vector<16xi32>
        %swap3A = arith.index_cast %mul3A_52 : i32 to index
        %swap3A_57 = tpu.vector_load %arg8[%swap3A] {strides = array<i32>} : memref<128xi32, #tpu.memory_space<vmem>>, vector<16xi32>,
        %swap3A_58 = vector.shape_cast %swap3A_57 : vector<16xi32> to vector<16xi32>
        %swap3A_59 = vector.shape_cast %add3A_56 : vector<16xi32> to vector<16xi32>
        tpu.vector_store %arg8[%swap3A], %swap3A_59 {strides = array<i32>} : memref<128xi32, #tpu.memory_space<vmem>>, vector<16xi32>,
        %get3A_60 = arith.index_cast %mul3A_52 : i32 to index
        %get3A_61 = tpu.vector_load %arg10[%get3A_60] {strides = array<i32>} : memref<128xi32, #tpu.memory_space<vmem>>, vector<16xi32>,
        %get3A_62 = vector.shape_cast %get3A_61 : vector<16xi32> to vector<16xi32>
        %swap3A_63 = arith.index_cast %mul3A_52 : i32 to index
        %swap3A_64 = tpu.vector_load %arg12[%swap3A_63] {strides = array<i32>} : memref<128xi32, #tpu.memory_space<vmem>>, vector<16xi32>,
        %swap3A_65 = vector.shape_cast %swap3A_64 : vector<16xi32> to vector<16xi32>
        %swap3A_66 = vector.shape_cast %get3A_62 : vector<16xi32> to vector<16xi32>
        tpu.vector_store %arg12[%swap3A_63], %swap3A_66 {strides = array<i32>} : memref<128xi32, #tpu.memory_space<vmem>>, vector<16xi32>,
      }
      %scan3A_33 = arith.constant 8 : i32
      "tpu.region"() ({
        %run_scoped3A = tpu.sem_alloc : memref<!tpu.dma_semaphore, #tpu.memory_space<semaphore_mem>>
        %dma_start3A = arith.constant 0 : i32
        %dma_start3A_50 = arith.constant 0 : i32
        %dma_start3A_51 = tpu.memref_slice %arg2[%dma_start3A, %dma_start3A_50] : memref<20480x128xf32, #tpu.memory_space<hbm>> -> memref<20480x128xf32, #tpu.memory_space<hbm>>
        tpu.enqueue_indirect_dma source(%dma_start3A_51 : memref<20480x128xf32, #tpu.memory_space<hbm>>) target(%arg14 : memref<128x128xf32, #tpu.memory_space<vmem>>) offsets(%arg8 : memref<128xi32, #tpu.memory_space<vmem>>) semaphore(%run_scoped3A : memref<!tpu.dma_semaphore, #tpu.memory_space<semaphore_mem>>)
        %dma_wait3A = arith.constant 0 : i32
        %dma_wait3A_52 = arith.constant 0 : i32
        %dma_wait3A_53 = tpu.memref_slice %arg2[%dma_wait3A, %dma_wait3A_52] : memref<20480x128xf32, #tpu.memory_space<hbm>> -> memref<20480x128xf32, #tpu.memory_space<hbm>>
        tpu.wait_indirect_dma semaphore(%run_scoped3A : memref<!tpu.dma_semaphore, #tpu.memory_space<semaphore_mem>>) src(%dma_wait3A_53 : memref<20480x128xf32, #tpu.memory_space<hbm>>) dst(%arg14 : memref<128x128xf32, #tpu.memory_space<vmem>>)
        tpu.yield
      }) : () -> ()
      "tpu.region"() ({
        %run_scoped3A = tpu.sem_alloc : memref<!tpu.dma_semaphore, #tpu.memory_space<semaphore_mem>>
        %dma_start3A = arith.constant 0 : i32
        %dma_start3A_50 = arith.constant 0 : i32
        %dma_start3A_51 = tpu.memref_slice %arg7[%dma_start3A, %dma_start3A_50] : memref<10240x128xf32, #tpu.memory_space<vmem_shared>> -> memref<10240x128xf32, #tpu.memory_space<vmem_shared>>
        tpu.enqueue_indirect_dma source(%arg14 : memref<128x128xf32, #tpu.memory_space<vmem>>) target(%dma_start3A_51 : memref<10240x128xf32, #tpu.memory_space<vmem_shared>>) offsets(%arg12 : memref<128xi32, #tpu.memory_space<vmem>>) semaphore(%run_scoped3A : memref<!tpu.dma_semaphore, #tpu.memory_space<semaphore_mem>>) {add = true}
        %dma_wait3A = arith.constant 0 : i32
        %dma_wait3A_52 = arith.constant 0 : i32
        %dma_wait3A_53 = tpu.memref_slice %arg7[%dma_wait3A, %dma_wait3A_52] : memref<10240x128xf32, #tpu.memory_space<vmem_shared>> -> memref<10240x128xf32, #tpu.memory_space<vmem_shared>>
        tpu.wait_indirect_dma semaphore(%run_scoped3A : memref<!tpu.dma_semaphore, #tpu.memory_space<semaphore_mem>>) src(%arg14 : memref<128x128xf32, #tpu.memory_space<vmem>>) dst(%dma_wait3A_53 : memref<10240x128xf32, #tpu.memory_space<vmem_shared>>)
        tpu.yield
      }) : () -> ()
      %mul3A_34 = arith.constant 2 : i32
      %mul3A_35 = arith.muli %scan3A_18, %mul3A_34 : i32
      %add3A_36 = arith.constant 1 : i32
      %add3A_37 = arith.addi %mul3A_35, %add3A_36 : i32
      %mul3A_38 = arith.constant 128 : i32
      %mul3A_39 = arith.muli %add3A_37, %mul3A_38 : i32
      %add3A_40 = arith.addi %mul3A_4, %mul3A_39 : i32
      "tpu.region"() ({
        %run_scoped3A = tpu.sem_alloc : memref<!tpu.dma_semaphore, #tpu.memory_space<semaphore_mem>>
        %dma_start3A = arith.constant 0 : i32
        %dma_start3A_50 = tpu.memref_slice %arg3[%arg0, %dma_start3A] : memref<2x323584xi32, #tpu.memory_space<hbm>> -> memref<1x323584xi32, #tpu.memory_space<hbm>>
        %dma_start3A_51 = tpu.memref_squeeze %dma_start3A_50 : memref<1x323584xi32, #tpu.memory_space<hbm>> -> memref<323584xi32, #tpu.memory_space<hbm>>
        %dma_start3A_52 = tpu.memref_slice %dma_start3A_51[%add3A_40] : memref<323584xi32, #tpu.memory_space<hbm>> -> memref<128xi32, #tpu.memory_space<hbm>>
        %dma_start3A_53 = arith.constant 0 : i32
        %dma_start3A_54 = tpu.memref_slice %arg3[%arg0, %dma_start3A_53] : memref<2x323584xi32, #tpu.memory_space<hbm>> -> memref<1x323584xi32, #tpu.memory_space<hbm>>
        %dma_start3A_55 = tpu.memref_squeeze %dma_start3A_54 : memref<1x323584xi32, #tpu.memory_space<hbm>> -> memref<323584xi32, #tpu.memory_space<hbm>>
        %dma_start3A_56 = tpu.memref_slice %dma_start3A_55[%add3A_40] : memref<323584xi32, #tpu.memory_space<hbm>> -> memref<128xi32, #tpu.memory_space<hbm>>
        tpu.enqueue_dma source(%dma_start3A_56 : memref<128xi32, #tpu.memory_space<hbm>>) target(%arg9 : memref<128xi32, #tpu.memory_space<vmem>>) target_semaphore(%run_scoped3A : memref<!tpu.dma_semaphore, #tpu.memory_space<semaphore_mem>>)
        %dma_wait3A = arith.constant 0 : i32
        %dma_wait3A_57 = tpu.memref_slice %arg3[%arg0, %dma_wait3A] : memref<2x323584xi32, #tpu.memory_space<hbm>> -> memref<1x323584xi32, #tpu.memory_space<hbm>>
        %dma_wait3A_58 = tpu.memref_squeeze %dma_wait3A_57 : memref<1x323584xi32, #tpu.memory_space<hbm>> -> memref<323584xi32, #tpu.memory_space<hbm>>
        %dma_wait3A_59 = tpu.memref_slice %dma_wait3A_58[%add3A_40] : memref<323584xi32, #tpu.memory_space<hbm>> -> memref<128xi32, #tpu.memory_space<hbm>>
        %dma_wait3A_60 = arith.constant 0 : i32
        %dma_wait3A_61 = tpu.memref_slice %arg3[%arg0, %dma_wait3A_60] : memref<2x323584xi32, #tpu.memory_space<hbm>> -> memref<1x323584xi32, #tpu.memory_space<hbm>>
        %dma_wait3A_62 = tpu.memref_squeeze %dma_wait3A_61 : memref<1x323584xi32, #tpu.memory_space<hbm>> -> memref<323584xi32, #tpu.memory_space<hbm>>
        %dma_wait3A_63 = tpu.memref_slice %dma_wait3A_62[%add3A_40] : memref<323584xi32, #tpu.memory_space<hbm>> -> memref<128xi32, #tpu.memory_space<hbm>>
        tpu.wait_dma2 semaphore(%run_scoped3A : memref<!tpu.dma_semaphore, #tpu.memory_space<semaphore_mem>>) src(%dma_wait3A_63 : memref<128xi32, #tpu.memory_space<hbm>>) dst(%arg9 : memref<128xi32, #tpu.memory_space<vmem>>)
        tpu.yield
      }) : () -> ()
      %mul3A_41 = arith.constant 128 : i32
      %mul3A_42 = arith.muli %add3A_37, %mul3A_41 : i32
      %add3A_43 = arith.addi %mul3A_4, %mul3A_42 : i32
      "tpu.region"() ({
        %run_scoped3A = tpu.sem_alloc : memref<!tpu.dma_semaphore, #tpu.memory_space<semaphore_mem>>
        %dma_start3A = arith.constant 0 : i32
        %dma_start3A_50 = tpu.memref_slice %arg4[%arg0, %dma_start3A] : memref<2x323584xi32, #tpu.memory_space<hbm>> -> memref<1x323584xi32, #tpu.memory_space<hbm>>
        %dma_start3A_51 = tpu.memref_squeeze %dma_start3A_50 : memref<1x323584xi32, #tpu.memory_space<hbm>> -> memref<323584xi32, #tpu.memory_space<hbm>>
        %dma_start3A_52 = tpu.memref_slice %dma_start3A_51[%add3A_43] : memref<323584xi32, #tpu.memory_space<hbm>> -> memref<128xi32, #tpu.memory_space<hbm>>
        %dma_start3A_53 = arith.constant 0 : i32
        %dma_start3A_54 = tpu.memref_slice %arg4[%arg0, %dma_start3A_53] : memref<2x323584xi32, #tpu.memory_space<hbm>> -> memref<1x323584xi32, #tpu.memory_space<hbm>>
        %dma_start3A_55 = tpu.memref_squeeze %dma_start3A_54 : memref<1x323584xi32, #tpu.memory_space<hbm>> -> memref<323584xi32, #tpu.memory_space<hbm>>
        %dma_start3A_56 = tpu.memref_slice %dma_start3A_55[%add3A_43] : memref<323584xi32, #tpu.memory_space<hbm>> -> memref<128xi32, #tpu.memory_space<hbm>>
        tpu.enqueue_dma source(%dma_start3A_56 : memref<128xi32, #tpu.memory_space<hbm>>) target(%arg11 : memref<128xi32, #tpu.memory_space<vmem>>) target_semaphore(%run_scoped3A : memref<!tpu.dma_semaphore, #tpu.memory_space<semaphore_mem>>)
        %dma_wait3A = arith.constant 0 : i32
        %dma_wait3A_57 = tpu.memref_slice %arg4[%arg0, %dma_wait3A] : memref<2x323584xi32, #tpu.memory_space<hbm>> -> memref<1x323584xi32, #tpu.memory_space<hbm>>
        %dma_wait3A_58 = tpu.memref_squeeze %dma_wait3A_57 : memref<1x323584xi32, #tpu.memory_space<hbm>> -> memref<323584xi32, #tpu.memory_space<hbm>>
        %dma_wait3A_59 = tpu.memref_slice %dma_wait3A_58[%add3A_43] : memref<323584xi32, #tpu.memory_space<hbm>> -> memref<128xi32, #tpu.memory_space<hbm>>
        %dma_wait3A_60 = arith.constant 0 : i32
        %dma_wait3A_61 = tpu.memref_slice %arg4[%arg0, %dma_wait3A_60] : memref<2x323584xi32, #tpu.memory_space<hbm>> -> memref<1x323584xi32, #tpu.memory_space<hbm>>
        %dma_wait3A_62 = tpu.memref_squeeze %dma_wait3A_61 : memref<1x323584xi32, #tpu.memory_space<hbm>> -> memref<323584xi32, #tpu.memory_space<hbm>>
        %dma_wait3A_63 = tpu.memref_slice %dma_wait3A_62[%add3A_43] : memref<323584xi32, #tpu.memory_space<hbm>> -> memref<128xi32, #tpu.memory_space<hbm>>
        tpu.wait_dma2 semaphore(%run_scoped3A : memref<!tpu.dma_semaphore, #tpu.memory_space<semaphore_mem>>) src(%dma_wait3A_63 : memref<128xi32, #tpu.memory_space<hbm>>) dst(%arg11 : memref<128xi32, #tpu.memory_space<vmem>>)
        tpu.yield
      }) : () -> ()
      %scan3A_44 = arith.constant 0 : i32
      %scan3A_45 = arith.constant 0 : i32
      %scan3A_46 = arith.constant 8 : i32
      %scan3A_47 = arith.addi %scan3A_45, %scan3A_46 : i32
      %scan3A_48 = arith.constant 1 : i32
      scf.for %scan3A_50 = %scan3A_45 to %scan3A_47 step %scan3A_48  : i32 {
        %mul3A_51 = arith.constant 16 : i32
        %mul3A_52 = arith.muli %scan3A_50, %mul3A_51 : i32
        %get3A = arith.index_cast %mul3A_52 : i32 to index
        %get3A_53 = tpu.vector_load %arg9[%get3A] {strides = array<i32>} : memref<128xi32, #tpu.memory_space<vmem>>, vector<16xi32>,
        %get3A_54 = vector.shape_cast %get3A_53 : vector<16xi32> to vector<16xi32>
        %add3A_55 = vector.broadcast %mul3A_6 : i32 to vector<16xi32>
        %add3A_56 = arith.addi %get3A_54, %add3A_55 : vector<16xi32>
        %swap3A = arith.index_cast %mul3A_52 : i32 to index
        %swap3A_57 = tpu.vector_load %arg9[%swap3A] {strides = array<i32>} : memref<128xi32, #tpu.memory_space<vmem>>, vector<16xi32>,
        %swap3A_58 = vector.shape_cast %swap3A_57 : vector<16xi32> to vector<16xi32>
        %swap3A_59 = vector.shape_cast %add3A_56 : vector<16xi32> to vector<16xi32>
        tpu.vector_store %arg9[%swap3A], %swap3A_59 {strides = array<i32>} : memref<128xi32, #tpu.memory_space<vmem>>, vector<16xi32>,
        %get3A_60 = arith.index_cast %mul3A_52 : i32 to index
        %get3A_61 = tpu.vector_load %arg11[%get3A_60] {strides = array<i32>} : memref<128xi32, #tpu.memory_space<vmem>>, vector<16xi32>,
        %get3A_62 = vector.shape_cast %get3A_61 : vector<16xi32> to vector<16xi32>
        %swap3A_63 = arith.index_cast %mul3A_52 : i32 to index
        %swap3A_64 = tpu.vector_load %arg13[%swap3A_63] {strides = array<i32>} : memref<128xi32, #tpu.memory_space<vmem>>, vector<16xi32>,
        %swap3A_65 = vector.shape_cast %swap3A_64 : vector<16xi32> to vector<16xi32>
        %swap3A_66 = vector.shape_cast %get3A_62 : vector<16xi32> to vector<16xi32>
        tpu.vector_store %arg13[%swap3A_63], %swap3A_66 {strides = array<i32>} : memref<128xi32, #tpu.memory_space<vmem>>, vector<16xi32>,
      }
      %scan3A_49 = arith.constant 8 : i32
      "tpu.region"() ({
        %run_scoped3A = tpu.sem_alloc : memref<!tpu.dma_semaphore, #tpu.memory_space<semaphore_mem>>
        %dma_start3A = arith.constant 0 : i32
        %dma_start3A_50 = arith.constant 0 : i32
        %dma_start3A_51 = tpu.memref_slice %arg2[%dma_start3A, %dma_start3A_50] : memref<20480x128xf32, #tpu.memory_space<hbm>> -> memref<20480x128xf32, #tpu.memory_space<hbm>>
        tpu.enqueue_indirect_dma source(%dma_start3A_51 : memref<20480x128xf32, #tpu.memory_space<hbm>>) target(%arg15 : memref<128x128xf32, #tpu.memory_space<vmem>>) offsets(%arg9 : memref<128xi32, #tpu.memory_space<vmem>>) semaphore(%run_scoped3A : memref<!tpu.dma_semaphore, #tpu.memory_space<semaphore_mem>>)
        %dma_wait3A = arith.constant 0 : i32
        %dma_wait3A_52 = arith.constant 0 : i32
        %dma_wait3A_53 = tpu.memref_slice %arg2[%dma_wait3A, %dma_wait3A_52] : memref<20480x128xf32, #tpu.memory_space<hbm>> -> memref<20480x128xf32, #tpu.memory_space<hbm>>
        tpu.wait_indirect_dma semaphore(%run_scoped3A : memref<!tpu.dma_semaphore, #tpu.memory_space<semaphore_mem>>) src(%dma_wait3A_53 : memref<20480x128xf32, #tpu.memory_space<hbm>>) dst(%arg15 : memref<128x128xf32, #tpu.memory_space<vmem>>)
        tpu.yield
      }) : () -> ()
      "tpu.region"() ({
        %run_scoped3A = tpu.sem_alloc : memref<!tpu.dma_semaphore, #tpu.memory_space<semaphore_mem>>
        %dma_start3A = arith.constant 0 : i32
        %dma_start3A_50 = arith.constant 0 : i32
        %dma_start3A_51 = tpu.memref_slice %arg7[%dma_start3A, %dma_start3A_50] : memref<10240x128xf32, #tpu.memory_space<vmem_shared>> -> memref<10240x128xf32, #tpu.memory_space<vmem_shared>>
        tpu.enqueue_indirect_dma source(%arg15 : memref<128x128xf32, #tpu.memory_space<vmem>>) target(%dma_start3A_51 : memref<10240x128xf32, #tpu.memory_space<vmem_shared>>) offsets(%arg13 : memref<128xi32, #tpu.memory_space<vmem>>) semaphore(%run_scoped3A : memref<!tpu.dma_semaphore, #tpu.memory_space<semaphore_mem>>) {add = true}
        %dma_wait3A = arith.constant 0 : i32
        %dma_wait3A_52 = arith.constant 0 : i32
        %dma_wait3A_53 = tpu.memref_slice %arg7[%dma_wait3A, %dma_wait3A_52] : memref<10240x128xf32, #tpu.memory_space<vmem_shared>> -> memref<10240x128xf32, #tpu.memory_space<vmem_shared>>
        tpu.wait_indirect_dma semaphore(%run_scoped3A : memref<!tpu.dma_semaphore, #tpu.memory_space<semaphore_mem>>) src(%arg15 : memref<128x128xf32, #tpu.memory_space<vmem>>) dst(%dma_wait3A_53 : memref<10240x128xf32, #tpu.memory_space<vmem_shared>>)
        tpu.yield
      }) : () -> ()
    }
    %scan3A_11 = arith.constant 79 : i32
    %barrier3A_12 = arith.constant 0 : index
    tpu.barrier barrier_id(%barrier3A_12)
    %delay3A = arith.constant 20000 : i32
    tpu.delay %delay3A
    %barrier3A_13 = arith.constant 0 : index
    tpu.barrier barrier_id(%barrier3A_13)
    %mul3A_14 = arith.constant 640 : i32
    %mul3A_15 = arith.muli %arg1, %mul3A_14 : i32
    %mul3A_16 = arith.constant 640 : i32
    %mul3A_17 = arith.muli %arg1, %mul3A_16 : i32
    "tpu.region"() ({
      %run_scoped3A = tpu.sem_alloc : memref<!tpu.dma_semaphore, #tpu.memory_space<semaphore_mem>>
      %dma_start3A = arith.constant 0 : i32
      %dma_start3A_18 = arith.constant 0 : i32
      %dma_start3A_19 = tpu.memref_slice %arg6[%arg0, %dma_start3A, %dma_start3A_18] : memref<2x10240x128xf32, #tpu.memory_space<hbm>> -> memref<1x10240x128xf32, #tpu.memory_space<hbm>>
      %dma_start3A_20 = tpu.memref_squeeze %dma_start3A_19 : memref<1x10240x128xf32, #tpu.memory_space<hbm>> -> memref<10240x128xf32, #tpu.memory_space<hbm>>
      %dma_start3A_21 = arith.constant 0 : i32
      %dma_start3A_22 = tpu.memref_slice %dma_start3A_20[%mul3A_17, %dma_start3A_21] : memref<10240x128xf32, #tpu.memory_space<hbm>> -> memref<640x128xf32, #tpu.memory_space<hbm>>
      %dma_start3A_23 = arith.constant 0 : i32
      %dma_start3A_24 = tpu.memref_slice %arg7[%mul3A_15, %dma_start3A_23] : memref<10240x128xf32, #tpu.memory_space<vmem_shared>> -> memref<640x128xf32, #tpu.memory_space<vmem_shared>>
      tpu.enqueue_dma source(%dma_start3A_24 : memref<640x128xf32, #tpu.memory_space<vmem_shared>>) target(%dma_start3A_22 : memref<640x128xf32, #tpu.memory_space<hbm>>) target_semaphore(%run_scoped3A : memref<!tpu.dma_semaphore, #tpu.memory_space<semaphore_mem>>)
      %dma_wait3A = arith.constant 0 : i32
      %dma_wait3A_25 = arith.constant 0 : i32
      %dma_wait3A_26 = tpu.memref_slice %arg6[%arg0, %dma_wait3A, %dma_wait3A_25] : memref<2x10240x128xf32, #tpu.memory_space<hbm>> -> memref<1x10240x128xf32, #tpu.memory_space<hbm>>
      %dma_wait3A_27 = tpu.memref_squeeze %dma_wait3A_26 : memref<1x10240x128xf32, #tpu.memory_space<hbm>> -> memref<10240x128xf32, #tpu.memory_space<hbm>>
      %dma_wait3A_28 = arith.constant 0 : i32
      %dma_wait3A_29 = tpu.memref_slice %dma_wait3A_27[%mul3A_17, %dma_wait3A_28] : memref<10240x128xf32, #tpu.memory_space<hbm>> -> memref<640x128xf32, #tpu.memory_space<hbm>>
      %dma_wait3A_30 = arith.constant 0 : i32
      %dma_wait3A_31 = tpu.memref_slice %arg7[%mul3A_15, %dma_wait3A_30] : memref<10240x128xf32, #tpu.memory_space<vmem_shared>> -> memref<640x128xf32, #tpu.memory_space<vmem_shared>>
      tpu.wait_dma2 semaphore(%run_scoped3A : memref<!tpu.dma_semaphore, #tpu.memory_space<semaphore_mem>>) src(%dma_wait3A_31 : memref<640x128xf32, #tpu.memory_space<vmem_shared>>) dst(%dma_wait3A_29 : memref<640x128xf32, #tpu.memory_space<hbm>>)
      tpu.yield
    }) : () -> ()
    return
  }
}

#map = affine_map<(d0, d1) -> (0, 0)>
#map1 = affine_map<(d0, d1) -> (0, 0, 0)>
module attributes {stable_mosaic.version = 14 : i64} {
  func.func @_sc_deg_body(%arg0: i32, %arg1: i32, %arg2: memref<2x323584xi32, #tpu.memory_space<hbm>>, %arg3: memref<10240x16xf32, #tpu.memory_space<hbm>>, %arg4: memref<2x10240x16xf32, #tpu.memory_space<hbm>>, %arg5: memref<10240x16xf32, #tpu.memory_space<vmem_shared>>, %arg6: memref<128xi32, #tpu.memory_space<vmem>>, %arg7: memref<128xi32, #tpu.memory_space<vmem>>, %arg8: memref<128xi32, #tpu.memory_space<vmem>>, %arg9: memref<128xi32, #tpu.memory_space<vmem>>, %arg10: memref<128x16xf32, #tpu.memory_space<vmem>>, %arg11: memref<!tpu.dma_semaphore, #tpu.memory_space<semaphore_mem>>, %arg12: memref<!tpu.dma_semaphore, #tpu.memory_space<semaphore_mem>>, %arg13: memref<!tpu.dma_semaphore, #tpu.memory_space<semaphore_mem>>, %arg14: memref<!tpu.dma_semaphore, #tpu.memory_space<semaphore_mem>>) attributes {dimension_semantics = [#tpu.dimension_semantics<core_parallel>, #tpu.dimension_semantics<subcore_parallel>], iteration_bounds = array<i64: 2, 16>, scalar_prefetch = 0 : i64, scratch_operands = 10 : i64, tpu.core_type = #tpu.core_type<sc_vector_subcore>, window_params = [{transform_indices = #map}, {transform_indices = #map}, {transform_indices = #map1}]} {
    %mul3A = arith.constant 640 : i32
    %mul3A_0 = arith.muli %arg1, %mul3A : i32
    %mul3A_1 = arith.constant 640 : i32
    %mul3A_2 = arith.muli %arg1, %mul3A_1 : i32
    "tpu.region"() ({
      %run_scoped3A = tpu.sem_alloc : memref<!tpu.dma_semaphore, #tpu.memory_space<semaphore_mem>>
      %dma_start3A = arith.constant 0 : i32
      %dma_start3A_22 = tpu.memref_slice %arg5[%mul3A_2, %dma_start3A] : memref<10240x16xf32, #tpu.memory_space<vmem_shared>> -> memref<640x16xf32, #tpu.memory_space<vmem_shared>>
      %dma_start3A_23 = arith.constant 0 : i32
      %dma_start3A_24 = tpu.memref_slice %arg3[%mul3A_0, %dma_start3A_23] : memref<10240x16xf32, #tpu.memory_space<hbm>> -> memref<640x16xf32, #tpu.memory_space<hbm>>
      tpu.enqueue_dma source(%dma_start3A_24 : memref<640x16xf32, #tpu.memory_space<hbm>>) target(%dma_start3A_22 : memref<640x16xf32, #tpu.memory_space<vmem_shared>>) target_semaphore(%run_scoped3A : memref<!tpu.dma_semaphore, #tpu.memory_space<semaphore_mem>>)
      %dma_wait3A = arith.constant 0 : i32
      %dma_wait3A_25 = tpu.memref_slice %arg5[%mul3A_2, %dma_wait3A] : memref<10240x16xf32, #tpu.memory_space<vmem_shared>> -> memref<640x16xf32, #tpu.memory_space<vmem_shared>>
      %dma_wait3A_26 = arith.constant 0 : i32
      %dma_wait3A_27 = tpu.memref_slice %arg3[%mul3A_0, %dma_wait3A_26] : memref<10240x16xf32, #tpu.memory_space<hbm>> -> memref<640x16xf32, #tpu.memory_space<hbm>>
      tpu.wait_dma2 semaphore(%run_scoped3A : memref<!tpu.dma_semaphore, #tpu.memory_space<semaphore_mem>>) src(%dma_wait3A_27 : memref<640x16xf32, #tpu.memory_space<hbm>>) dst(%dma_wait3A_25 : memref<640x16xf32, #tpu.memory_space<vmem_shared>>)
      tpu.yield
    }) : () -> ()
    %scan3A = arith.constant 0 : i32
    %scan3A_3 = arith.constant 0 : i32
    %scan3A_4 = arith.constant 128 : i32
    %scan3A_5 = arith.addi %scan3A_3, %scan3A_4 : i32
    %scan3A_6 = arith.constant 1 : i32
    scf.for %scan3A_22 = %scan3A_3 to %scan3A_5 step %scan3A_6  : i32 {
      %broadcast_in_dim3A = arith.constant 1.000000e+00 : f32
      %broadcast_in_dim3A_23 = vector.broadcast %broadcast_in_dim3A : f32 to vector<16xf32>
      %swap3A = arith.index_cast %scan3A_22 : i32 to index
      %swap3A_24 = arith.constant 0 : index
      %swap3A_25 = tpu.vector_load %arg10[%swap3A, %swap3A_24] {strides = array<i32>} : memref<128x16xf32, #tpu.memory_space<vmem>>, vector<1x16xf32>,
      %swap3A_26 = vector.shape_cast %swap3A_25 : vector<1x16xf32> to vector<16xf32>
      %swap3A_27 = vector.shape_cast %broadcast_in_dim3A_23 : vector<16xf32> to vector<1x16xf32>
      tpu.vector_store %arg10[%swap3A, %swap3A_24], %swap3A_27 {strides = array<i32>} : memref<128x16xf32, #tpu.memory_space<vmem>>, vector<1x16xf32>,
    }
    %scan3A_7 = arith.constant 128 : i32
    %barrier3A = arith.constant 0 : index
    tpu.barrier barrier_id(%barrier3A)
    %mul3A_8 = arith.constant 20224 : i32
    %mul3A_9 = arith.muli %arg1, %mul3A_8 : i32
    %scan3A_10 = arith.constant 0 : i32
    %scan3A_11 = arith.constant 0 : i32
    %scan3A_12 = arith.constant 79 : i32
    %scan3A_13 = arith.addi %scan3A_11, %scan3A_12 : i32
    %scan3A_14 = arith.constant 1 : i32
    scf.for %scan3A_22 = %scan3A_11 to %scan3A_13 step %scan3A_14  : i32 {
      %mul3A_23 = arith.constant 2 : i32
      %mul3A_24 = arith.muli %scan3A_22, %mul3A_23 : i32
      %add3A = arith.constant 0 : i32
      %add3A_25 = arith.addi %mul3A_24, %add3A : i32
      %mul3A_26 = arith.constant 128 : i32
      %mul3A_27 = arith.muli %add3A_25, %mul3A_26 : i32
      %add3A_28 = arith.addi %mul3A_9, %mul3A_27 : i32
      "tpu.region"() ({
        %run_scoped3A = tpu.sem_alloc : memref<!tpu.dma_semaphore, #tpu.memory_space<semaphore_mem>>
        %dma_start3A = arith.constant 0 : i32
        %dma_start3A_48 = tpu.memref_slice %arg2[%arg0, %dma_start3A] : memref<2x323584xi32, #tpu.memory_space<hbm>> -> memref<1x323584xi32, #tpu.memory_space<hbm>>
        %dma_start3A_49 = tpu.memref_squeeze %dma_start3A_48 : memref<1x323584xi32, #tpu.memory_space<hbm>> -> memref<323584xi32, #tpu.memory_space<hbm>>
        %dma_start3A_50 = tpu.memref_slice %dma_start3A_49[%add3A_28] : memref<323584xi32, #tpu.memory_space<hbm>> -> memref<128xi32, #tpu.memory_space<hbm>>
        %dma_start3A_51 = arith.constant 0 : i32
        %dma_start3A_52 = tpu.memref_slice %arg2[%arg0, %dma_start3A_51] : memref<2x323584xi32, #tpu.memory_space<hbm>> -> memref<1x323584xi32, #tpu.memory_space<hbm>>
        %dma_start3A_53 = tpu.memref_squeeze %dma_start3A_52 : memref<1x323584xi32, #tpu.memory_space<hbm>> -> memref<323584xi32, #tpu.memory_space<hbm>>
        %dma_start3A_54 = tpu.memref_slice %dma_start3A_53[%add3A_28] : memref<323584xi32, #tpu.memory_space<hbm>> -> memref<128xi32, #tpu.memory_space<hbm>>
        tpu.enqueue_dma source(%dma_start3A_54 : memref<128xi32, #tpu.memory_space<hbm>>) target(%arg6 : memref<128xi32, #tpu.memory_space<vmem>>) target_semaphore(%run_scoped3A : memref<!tpu.dma_semaphore, #tpu.memory_space<semaphore_mem>>)
        %dma_wait3A = arith.constant 0 : i32
        %dma_wait3A_55 = tpu.memref_slice %arg2[%arg0, %dma_wait3A] : memref<2x323584xi32, #tpu.memory_space<hbm>> -> memref<1x323584xi32, #tpu.memory_space<hbm>>
        %dma_wait3A_56 = tpu.memref_squeeze %dma_wait3A_55 : memref<1x323584xi32, #tpu.memory_space<hbm>> -> memref<323584xi32, #tpu.memory_space<hbm>>
        %dma_wait3A_57 = tpu.memref_slice %dma_wait3A_56[%add3A_28] : memref<323584xi32, #tpu.memory_space<hbm>> -> memref<128xi32, #tpu.memory_space<hbm>>
        %dma_wait3A_58 = arith.constant 0 : i32
        %dma_wait3A_59 = tpu.memref_slice %arg2[%arg0, %dma_wait3A_58] : memref<2x323584xi32, #tpu.memory_space<hbm>> -> memref<1x323584xi32, #tpu.memory_space<hbm>>
        %dma_wait3A_60 = tpu.memref_squeeze %dma_wait3A_59 : memref<1x323584xi32, #tpu.memory_space<hbm>> -> memref<323584xi32, #tpu.memory_space<hbm>>
        %dma_wait3A_61 = tpu.memref_slice %dma_wait3A_60[%add3A_28] : memref<323584xi32, #tpu.memory_space<hbm>> -> memref<128xi32, #tpu.memory_space<hbm>>
        tpu.wait_dma2 semaphore(%run_scoped3A : memref<!tpu.dma_semaphore, #tpu.memory_space<semaphore_mem>>) src(%dma_wait3A_61 : memref<128xi32, #tpu.memory_space<hbm>>) dst(%arg6 : memref<128xi32, #tpu.memory_space<vmem>>)
        tpu.yield
      }) : () -> ()
      %scan3A_29 = arith.constant 0 : i32
      %scan3A_30 = arith.constant 0 : i32
      %scan3A_31 = arith.constant 8 : i32
      %scan3A_32 = arith.addi %scan3A_30, %scan3A_31 : i32
      %scan3A_33 = arith.constant 1 : i32
      scf.for %scan3A_48 = %scan3A_30 to %scan3A_32 step %scan3A_33  : i32 {
        %mul3A_49 = arith.constant 16 : i32
        %mul3A_50 = arith.muli %scan3A_48, %mul3A_49 : i32
        %get3A = arith.index_cast %mul3A_50 : i32 to index
        %get3A_51 = tpu.vector_load %arg6[%get3A] {strides = array<i32>} : memref<128xi32, #tpu.memory_space<vmem>>, vector<16xi32>,
        %get3A_52 = vector.shape_cast %get3A_51 : vector<16xi32> to vector<16xi32>
        %swap3A = arith.index_cast %mul3A_50 : i32 to index
        %swap3A_53 = tpu.vector_load %arg8[%swap3A] {strides = array<i32>} : memref<128xi32, #tpu.memory_space<vmem>>, vector<16xi32>,
        %swap3A_54 = vector.shape_cast %swap3A_53 : vector<16xi32> to vector<16xi32>
        %swap3A_55 = vector.shape_cast %get3A_52 : vector<16xi32> to vector<16xi32>
        tpu.vector_store %arg8[%swap3A], %swap3A_55 {strides = array<i32>} : memref<128xi32, #tpu.memory_space<vmem>>, vector<16xi32>,
      }
      %scan3A_34 = arith.constant 8 : i32
      "tpu.region"() ({
        %run_scoped3A = tpu.sem_alloc : memref<!tpu.dma_semaphore, #tpu.memory_space<semaphore_mem>>
        %dma_start3A = arith.constant 0 : i32
        %dma_start3A_48 = arith.constant 0 : i32
        %dma_start3A_49 = tpu.memref_slice %arg5[%dma_start3A, %dma_start3A_48] : memref<10240x16xf32, #tpu.memory_space<vmem_shared>> -> memref<10240x16xf32, #tpu.memory_space<vmem_shared>>
        tpu.enqueue_indirect_dma source(%arg10 : memref<128x16xf32, #tpu.memory_space<vmem>>) target(%dma_start3A_49 : memref<10240x16xf32, #tpu.memory_space<vmem_shared>>) offsets(%arg8 : memref<128xi32, #tpu.memory_space<vmem>>) semaphore(%run_scoped3A : memref<!tpu.dma_semaphore, #tpu.memory_space<semaphore_mem>>) {add = true}
        %dma_wait3A = arith.constant 0 : i32
        %dma_wait3A_50 = arith.constant 0 : i32
        %dma_wait3A_51 = tpu.memref_slice %arg5[%dma_wait3A, %dma_wait3A_50] : memref<10240x16xf32, #tpu.memory_space<vmem_shared>> -> memref<10240x16xf32, #tpu.memory_space<vmem_shared>>
        tpu.wait_indirect_dma semaphore(%run_scoped3A : memref<!tpu.dma_semaphore, #tpu.memory_space<semaphore_mem>>) src(%arg10 : memref<128x16xf32, #tpu.memory_space<vmem>>) dst(%dma_wait3A_51 : memref<10240x16xf32, #tpu.memory_space<vmem_shared>>)
        tpu.yield
      }) : () -> ()
      %mul3A_35 = arith.constant 2 : i32
      %mul3A_36 = arith.muli %scan3A_22, %mul3A_35 : i32
      %add3A_37 = arith.constant 1 : i32
      %add3A_38 = arith.addi %mul3A_36, %add3A_37 : i32
      %mul3A_39 = arith.constant 128 : i32
      %mul3A_40 = arith.muli %add3A_38, %mul3A_39 : i32
      %add3A_41 = arith.addi %mul3A_9, %mul3A_40 : i32
      "tpu.region"() ({
        %run_scoped3A = tpu.sem_alloc : memref<!tpu.dma_semaphore, #tpu.memory_space<semaphore_mem>>
        %dma_start3A = arith.constant 0 : i32
        %dma_start3A_48 = tpu.memref_slice %arg2[%arg0, %dma_start3A] : memref<2x323584xi32, #tpu.memory_space<hbm>> -> memref<1x323584xi32, #tpu.memory_space<hbm>>
        %dma_start3A_49 = tpu.memref_squeeze %dma_start3A_48 : memref<1x323584xi32, #tpu.memory_space<hbm>> -> memref<323584xi32, #tpu.memory_space<hbm>>
        %dma_start3A_50 = tpu.memref_slice %dma_start3A_49[%add3A_41] : memref<323584xi32, #tpu.memory_space<hbm>> -> memref<128xi32, #tpu.memory_space<hbm>>
        %dma_start3A_51 = arith.constant 0 : i32
        %dma_start3A_52 = tpu.memref_slice %arg2[%arg0, %dma_start3A_51] : memref<2x323584xi32, #tpu.memory_space<hbm>> -> memref<1x323584xi32, #tpu.memory_space<hbm>>
        %dma_start3A_53 = tpu.memref_squeeze %dma_start3A_52 : memref<1x323584xi32, #tpu.memory_space<hbm>> -> memref<323584xi32, #tpu.memory_space<hbm>>
        %dma_start3A_54 = tpu.memref_slice %dma_start3A_53[%add3A_41] : memref<323584xi32, #tpu.memory_space<hbm>> -> memref<128xi32, #tpu.memory_space<hbm>>
        tpu.enqueue_dma source(%dma_start3A_54 : memref<128xi32, #tpu.memory_space<hbm>>) target(%arg7 : memref<128xi32, #tpu.memory_space<vmem>>) target_semaphore(%run_scoped3A : memref<!tpu.dma_semaphore, #tpu.memory_space<semaphore_mem>>)
        %dma_wait3A = arith.constant 0 : i32
        %dma_wait3A_55 = tpu.memref_slice %arg2[%arg0, %dma_wait3A] : memref<2x323584xi32, #tpu.memory_space<hbm>> -> memref<1x323584xi32, #tpu.memory_space<hbm>>
        %dma_wait3A_56 = tpu.memref_squeeze %dma_wait3A_55 : memref<1x323584xi32, #tpu.memory_space<hbm>> -> memref<323584xi32, #tpu.memory_space<hbm>>
        %dma_wait3A_57 = tpu.memref_slice %dma_wait3A_56[%add3A_41] : memref<323584xi32, #tpu.memory_space<hbm>> -> memref<128xi32, #tpu.memory_space<hbm>>
        %dma_wait3A_58 = arith.constant 0 : i32
        %dma_wait3A_59 = tpu.memref_slice %arg2[%arg0, %dma_wait3A_58] : memref<2x323584xi32, #tpu.memory_space<hbm>> -> memref<1x323584xi32, #tpu.memory_space<hbm>>
        %dma_wait3A_60 = tpu.memref_squeeze %dma_wait3A_59 : memref<1x323584xi32, #tpu.memory_space<hbm>> -> memref<323584xi32, #tpu.memory_space<hbm>>
        %dma_wait3A_61 = tpu.memref_slice %dma_wait3A_60[%add3A_41] : memref<323584xi32, #tpu.memory_space<hbm>> -> memref<128xi32, #tpu.memory_space<hbm>>
        tpu.wait_dma2 semaphore(%run_scoped3A : memref<!tpu.dma_semaphore, #tpu.memory_space<semaphore_mem>>) src(%dma_wait3A_61 : memref<128xi32, #tpu.memory_space<hbm>>) dst(%arg7 : memref<128xi32, #tpu.memory_space<vmem>>)
        tpu.yield
      }) : () -> ()
      %scan3A_42 = arith.constant 0 : i32
      %scan3A_43 = arith.constant 0 : i32
      %scan3A_44 = arith.constant 8 : i32
      %scan3A_45 = arith.addi %scan3A_43, %scan3A_44 : i32
      %scan3A_46 = arith.constant 1 : i32
      scf.for %scan3A_48 = %scan3A_43 to %scan3A_45 step %scan3A_46  : i32 {
        %mul3A_49 = arith.constant 16 : i32
        %mul3A_50 = arith.muli %scan3A_48, %mul3A_49 : i32
        %get3A = arith.index_cast %mul3A_50 : i32 to index
        %get3A_51 = tpu.vector_load %arg7[%get3A] {strides = array<i32>} : memref<128xi32, #tpu.memory_space<vmem>>, vector<16xi32>,
        %get3A_52 = vector.shape_cast %get3A_51 : vector<16xi32> to vector<16xi32>
        %swap3A = arith.index_cast %mul3A_50 : i32 to index
        %swap3A_53 = tpu.vector_load %arg9[%swap3A] {strides = array<i32>} : memref<128xi32, #tpu.memory_space<vmem>>, vector<16xi32>,
        %swap3A_54 = vector.shape_cast %swap3A_53 : vector<16xi32> to vector<16xi32>
        %swap3A_55 = vector.shape_cast %get3A_52 : vector<16xi32> to vector<16xi32>
        tpu.vector_store %arg9[%swap3A], %swap3A_55 {strides = array<i32>} : memref<128xi32, #tpu.memory_space<vmem>>, vector<16xi32>,
      }
      %scan3A_47 = arith.constant 8 : i32
      "tpu.region"() ({
        %run_scoped3A = tpu.sem_alloc : memref<!tpu.dma_semaphore, #tpu.memory_space<semaphore_mem>>
        %dma_start3A = arith.constant 0 : i32
        %dma_start3A_48 = arith.constant 0 : i32
        %dma_start3A_49 = tpu.memref_slice %arg5[%dma_start3A, %dma_start3A_48] : memref<10240x16xf32, #tpu.memory_space<vmem_shared>> -> memref<10240x16xf32, #tpu.memory_space<vmem_shared>>
        tpu.enqueue_indirect_dma source(%arg10 : memref<128x16xf32, #tpu.memory_space<vmem>>) target(%dma_start3A_49 : memref<10240x16xf32, #tpu.memory_space<vmem_shared>>) offsets(%arg9 : memref<128xi32, #tpu.memory_space<vmem>>) semaphore(%run_scoped3A : memref<!tpu.dma_semaphore, #tpu.memory_space<semaphore_mem>>) {add = true}
        %dma_wait3A = arith.constant 0 : i32
        %dma_wait3A_50 = arith.constant 0 : i32
        %dma_wait3A_51 = tpu.memref_slice %arg5[%dma_wait3A, %dma_wait3A_50] : memref<10240x16xf32, #tpu.memory_space<vmem_shared>> -> memref<10240x16xf32, #tpu.memory_space<vmem_shared>>
        tpu.wait_indirect_dma semaphore(%run_scoped3A : memref<!tpu.dma_semaphore, #tpu.memory_space<semaphore_mem>>) src(%arg10 : memref<128x16xf32, #tpu.memory_space<vmem>>) dst(%dma_wait3A_51 : memref<10240x16xf32, #tpu.memory_space<vmem_shared>>)
        tpu.yield
      }) : () -> ()
    }
    %scan3A_15 = arith.constant 79 : i32
    %barrier3A_16 = arith.constant 0 : index
    tpu.barrier barrier_id(%barrier3A_16)
    %delay3A = arith.constant 20000 : i32
    tpu.delay %delay3A
    %barrier3A_17 = arith.constant 0 : index
    tpu.barrier barrier_id(%barrier3A_17)
    %mul3A_18 = arith.constant 640 : i32
    %mul3A_19 = arith.muli %arg1, %mul3A_18 : i32
    %mul3A_20 = arith.constant 640 : i32
    %mul3A_21 = arith.muli %arg1, %mul3A_20 : i32
    "tpu.region"() ({
      %run_scoped3A = tpu.sem_alloc : memref<!tpu.dma_semaphore, #tpu.memory_space<semaphore_mem>>
      %dma_start3A = arith.constant 0 : i32
      %dma_start3A_22 = arith.constant 0 : i32
      %dma_start3A_23 = tpu.memref_slice %arg4[%arg0, %dma_start3A, %dma_start3A_22] : memref<2x10240x16xf32, #tpu.memory_space<hbm>> -> memref<1x10240x16xf32, #tpu.memory_space<hbm>>
      %dma_start3A_24 = tpu.memref_squeeze %dma_start3A_23 : memref<1x10240x16xf32, #tpu.memory_space<hbm>> -> memref<10240x16xf32, #tpu.memory_space<hbm>>
      %dma_start3A_25 = arith.constant 0 : i32
      %dma_start3A_26 = tpu.memref_slice %dma_start3A_24[%mul3A_21, %dma_start3A_25] : memref<10240x16xf32, #tpu.memory_space<hbm>> -> memref<640x16xf32, #tpu.memory_space<hbm>>
      %dma_start3A_27 = arith.constant 0 : i32
      %dma_start3A_28 = tpu.memref_slice %arg5[%mul3A_19, %dma_start3A_27] : memref<10240x16xf32, #tpu.memory_space<vmem_shared>> -> memref<640x16xf32, #tpu.memory_space<vmem_shared>>
      tpu.enqueue_dma source(%dma_start3A_28 : memref<640x16xf32, #tpu.memory_space<vmem_shared>>) target(%dma_start3A_26 : memref<640x16xf32, #tpu.memory_space<hbm>>) target_semaphore(%run_scoped3A : memref<!tpu.dma_semaphore, #tpu.memory_space<semaphore_mem>>)
      %dma_wait3A = arith.constant 0 : i32
      %dma_wait3A_29 = arith.constant 0 : i32
      %dma_wait3A_30 = tpu.memref_slice %arg4[%arg0, %dma_wait3A, %dma_wait3A_29] : memref<2x10240x16xf32, #tpu.memory_space<hbm>> -> memref<1x10240x16xf32, #tpu.memory_space<hbm>>
      %dma_wait3A_31 = tpu.memref_squeeze %dma_wait3A_30 : memref<1x10240x16xf32, #tpu.memory_space<hbm>> -> memref<10240x16xf32, #tpu.memory_space<hbm>>
      %dma_wait3A_32 = arith.constant 0 : i32
      %dma_wait3A_33 = tpu.memref_slice %dma_wait3A_31[%mul3A_21, %dma_wait3A_32] : memref<10240x16xf32, #tpu.memory_space<hbm>> -> memref<640x16xf32, #tpu.memory_space<hbm>>
      %dma_wait3A_34 = arith.constant 0 : i32
      %dma_wait3A_35 = tpu.memref_slice %arg5[%mul3A_19, %dma_wait3A_34] : memref<10240x16xf32, #tpu.memory_space<vmem_shared>> -> memref<640x16xf32, #tpu.memory_space<vmem_shared>>
      tpu.wait_dma2 semaphore(%run_scoped3A : memref<!tpu.dma_semaphore, #tpu.memory_space<semaphore_mem>>) src(%dma_wait3A_35 : memref<640x16xf32, #tpu.memory_space<vmem_shared>>) dst(%dma_wait3A_33 : memref<640x16xf32, #tpu.memory_space<hbm>>)
      tpu.yield
    }) : () -> ()
    return
  }
}

#map = affine_map<(d0, d1) -> (0, 0)>
#map1 = affine_map<(d0, d1) -> (0, 0, 0)>
module attributes {stable_mosaic.version = 14 : i64} {
  func.func @_sc_spmm_body(%arg0: i32, %arg1: i32, %arg2: memref<20480x128xf32, #tpu.memory_space<hbm>>, %arg3: memref<2x323584xi32, #tpu.memory_space<hbm>>, %arg4: memref<2x323584xi32, #tpu.memory_space<hbm>>, %arg5: memref<10240x128xf32, #tpu.memory_space<hbm>>, %arg6: memref<2x10240x128xf32, #tpu.memory_space<hbm>>, %arg7: memref<10240x128xf32, #tpu.memory_space<vmem_shared>>, %arg8: memref<128xi32, #tpu.memory_space<vmem>>, %arg9: memref<128xi32, #tpu.memory_space<vmem>>, %arg10: memref<128xi32, #tpu.memory_space<vmem>>, %arg11: memref<128xi32, #tpu.memory_space<vmem>>, %arg12: memref<128xi32, #tpu.memory_space<vmem>>, %arg13: memref<128xi32, #tpu.memory_space<vmem>>, %arg14: memref<128x128xf32, #tpu.memory_space<vmem>>, %arg15: memref<128x128xf32, #tpu.memory_space<vmem>>, %arg16: memref<!tpu.dma_semaphore, #tpu.memory_space<semaphore_mem>>, %arg17: memref<!tpu.dma_semaphore, #tpu.memory_space<semaphore_mem>>, %arg18: memref<!tpu.dma_semaphore, #tpu.memory_space<semaphore_mem>>, %arg19: memref<!tpu.dma_semaphore, #tpu.memory_space<semaphore_mem>>, %arg20: memref<!tpu.dma_semaphore, #tpu.memory_space<semaphore_mem>>, %arg21: memref<!tpu.dma_semaphore, #tpu.memory_space<semaphore_mem>>) attributes {dimension_semantics = [#tpu.dimension_semantics<core_parallel>, #tpu.dimension_semantics<subcore_parallel>], iteration_bounds = array<i64: 2, 16>, scalar_prefetch = 0 : i64, scratch_operands = 15 : i64, tpu.core_type = #tpu.core_type<sc_vector_subcore>, window_params = [{transform_indices = #map}, {transform_indices = #map}, {transform_indices = #map}, {transform_indices = #map}, {transform_indices = #map1}]} {
    %mul3A = arith.constant 640 : i32
    %mul3A_0 = arith.muli %arg1, %mul3A : i32
    %mul3A_1 = arith.constant 640 : i32
    %mul3A_2 = arith.muli %arg1, %mul3A_1 : i32
    "tpu.region"() ({
      %run_scoped3A = tpu.sem_alloc : memref<!tpu.dma_semaphore, #tpu.memory_space<semaphore_mem>>
      %dma_start3A = arith.constant 0 : i32
      %dma_start3A_18 = tpu.memref_slice %arg7[%mul3A_2, %dma_start3A] : memref<10240x128xf32, #tpu.memory_space<vmem_shared>> -> memref<640x128xf32, #tpu.memory_space<vmem_shared>>
      %dma_start3A_19 = arith.constant 0 : i32
      %dma_start3A_20 = tpu.memref_slice %arg5[%mul3A_0, %dma_start3A_19] : memref<10240x128xf32, #tpu.memory_space<hbm>> -> memref<640x128xf32, #tpu.memory_space<hbm>>
      tpu.enqueue_dma source(%dma_start3A_20 : memref<640x128xf32, #tpu.memory_space<hbm>>) target(%dma_start3A_18 : memref<640x128xf32, #tpu.memory_space<vmem_shared>>) target_semaphore(%run_scoped3A : memref<!tpu.dma_semaphore, #tpu.memory_space<semaphore_mem>>)
      %dma_wait3A = arith.constant 0 : i32
      %dma_wait3A_21 = tpu.memref_slice %arg7[%mul3A_2, %dma_wait3A] : memref<10240x128xf32, #tpu.memory_space<vmem_shared>> -> memref<640x128xf32, #tpu.memory_space<vmem_shared>>
      %dma_wait3A_22 = arith.constant 0 : i32
      %dma_wait3A_23 = tpu.memref_slice %arg5[%mul3A_0, %dma_wait3A_22] : memref<10240x128xf32, #tpu.memory_space<hbm>> -> memref<640x128xf32, #tpu.memory_space<hbm>>
      tpu.wait_dma2 semaphore(%run_scoped3A : memref<!tpu.dma_semaphore, #tpu.memory_space<semaphore_mem>>) src(%dma_wait3A_23 : memref<640x128xf32, #tpu.memory_space<hbm>>) dst(%dma_wait3A_21 : memref<640x128xf32, #tpu.memory_space<vmem_shared>>)
      tpu.yield
    }) : () -> ()
    %barrier3A = arith.constant 0 : index
    tpu.barrier barrier_id(%barrier3A)
    %mul3A_3 = arith.constant 20224 : i32
    %mul3A_4 = arith.muli %arg1, %mul3A_3 : i32
    %mul3A_5 = arith.constant 10240 : i32
    %mul3A_6 = arith.muli %arg0, %mul3A_5 : i32
    %scan3A = arith.constant 0 : i32
    %scan3A_7 = arith.constant 0 : i32
    %scan3A_8 = arith.constant 79 : i32
    %scan3A_9 = arith.addi %scan3A_7, %scan3A_8 : i32
    %scan3A_10 = arith.constant 1 : i32
    scf.for %scan3A_18 = %scan3A_7 to %scan3A_9 step %scan3A_10  : i32 {
      %mul3A_19 = arith.constant 2 : i32
      %mul3A_20 = arith.muli %scan3A_18, %mul3A_19 : i32
      %add3A = arith.constant 0 : i32
      %add3A_21 = arith.addi %mul3A_20, %add3A : i32
      %mul3A_22 = arith.constant 128 : i32
      %mul3A_23 = arith.muli %add3A_21, %mul3A_22 : i32
      %add3A_24 = arith.addi %mul3A_4, %mul3A_23 : i32
      "tpu.region"() ({
        %run_scoped3A = tpu.sem_alloc : memref<!tpu.dma_semaphore, #tpu.memory_space<semaphore_mem>>
        %dma_start3A = arith.constant 0 : i32
        %dma_start3A_50 = tpu.memref_slice %arg3[%arg0, %dma_start3A] : memref<2x323584xi32, #tpu.memory_space<hbm>> -> memref<1x323584xi32, #tpu.memory_space<hbm>>
        %dma_start3A_51 = tpu.memref_squeeze %dma_start3A_50 : memref<1x323584xi32, #tpu.memory_space<hbm>> -> memref<323584xi32, #tpu.memory_space<hbm>>
        %dma_start3A_52 = tpu.memref_slice %dma_start3A_51[%add3A_24] : memref<323584xi32, #tpu.memory_space<hbm>> -> memref<128xi32, #tpu.memory_space<hbm>>
        %dma_start3A_53 = arith.constant 0 : i32
        %dma_start3A_54 = tpu.memref_slice %arg3[%arg0, %dma_start3A_53] : memref<2x323584xi32, #tpu.memory_space<hbm>> -> memref<1x323584xi32, #tpu.memory_space<hbm>>
        %dma_start3A_55 = tpu.memref_squeeze %dma_start3A_54 : memref<1x323584xi32, #tpu.memory_space<hbm>> -> memref<323584xi32, #tpu.memory_space<hbm>>
        %dma_start3A_56 = tpu.memref_slice %dma_start3A_55[%add3A_24] : memref<323584xi32, #tpu.memory_space<hbm>> -> memref<128xi32, #tpu.memory_space<hbm>>
        tpu.enqueue_dma source(%dma_start3A_56 : memref<128xi32, #tpu.memory_space<hbm>>) target(%arg8 : memref<128xi32, #tpu.memory_space<vmem>>) target_semaphore(%run_scoped3A : memref<!tpu.dma_semaphore, #tpu.memory_space<semaphore_mem>>)
        %dma_wait3A = arith.constant 0 : i32
        %dma_wait3A_57 = tpu.memref_slice %arg3[%arg0, %dma_wait3A] : memref<2x323584xi32, #tpu.memory_space<hbm>> -> memref<1x323584xi32, #tpu.memory_space<hbm>>
        %dma_wait3A_58 = tpu.memref_squeeze %dma_wait3A_57 : memref<1x323584xi32, #tpu.memory_space<hbm>> -> memref<323584xi32, #tpu.memory_space<hbm>>
        %dma_wait3A_59 = tpu.memref_slice %dma_wait3A_58[%add3A_24] : memref<323584xi32, #tpu.memory_space<hbm>> -> memref<128xi32, #tpu.memory_space<hbm>>
        %dma_wait3A_60 = arith.constant 0 : i32
        %dma_wait3A_61 = tpu.memref_slice %arg3[%arg0, %dma_wait3A_60] : memref<2x323584xi32, #tpu.memory_space<hbm>> -> memref<1x323584xi32, #tpu.memory_space<hbm>>
        %dma_wait3A_62 = tpu.memref_squeeze %dma_wait3A_61 : memref<1x323584xi32, #tpu.memory_space<hbm>> -> memref<323584xi32, #tpu.memory_space<hbm>>
        %dma_wait3A_63 = tpu.memref_slice %dma_wait3A_62[%add3A_24] : memref<323584xi32, #tpu.memory_space<hbm>> -> memref<128xi32, #tpu.memory_space<hbm>>
        tpu.wait_dma2 semaphore(%run_scoped3A : memref<!tpu.dma_semaphore, #tpu.memory_space<semaphore_mem>>) src(%dma_wait3A_63 : memref<128xi32, #tpu.memory_space<hbm>>) dst(%arg8 : memref<128xi32, #tpu.memory_space<vmem>>)
        tpu.yield
      }) : () -> ()
      %mul3A_25 = arith.constant 128 : i32
      %mul3A_26 = arith.muli %add3A_21, %mul3A_25 : i32
      %add3A_27 = arith.addi %mul3A_4, %mul3A_26 : i32
      "tpu.region"() ({
        %run_scoped3A = tpu.sem_alloc : memref<!tpu.dma_semaphore, #tpu.memory_space<semaphore_mem>>
        %dma_start3A = arith.constant 0 : i32
        %dma_start3A_50 = tpu.memref_slice %arg4[%arg0, %dma_start3A] : memref<2x323584xi32, #tpu.memory_space<hbm>> -> memref<1x323584xi32, #tpu.memory_space<hbm>>
        %dma_start3A_51 = tpu.memref_squeeze %dma_start3A_50 : memref<1x323584xi32, #tpu.memory_space<hbm>> -> memref<323584xi32, #tpu.memory_space<hbm>>
        %dma_start3A_52 = tpu.memref_slice %dma_start3A_51[%add3A_27] : memref<323584xi32, #tpu.memory_space<hbm>> -> memref<128xi32, #tpu.memory_space<hbm>>
        %dma_start3A_53 = arith.constant 0 : i32
        %dma_start3A_54 = tpu.memref_slice %arg4[%arg0, %dma_start3A_53] : memref<2x323584xi32, #tpu.memory_space<hbm>> -> memref<1x323584xi32, #tpu.memory_space<hbm>>
        %dma_start3A_55 = tpu.memref_squeeze %dma_start3A_54 : memref<1x323584xi32, #tpu.memory_space<hbm>> -> memref<323584xi32, #tpu.memory_space<hbm>>
        %dma_start3A_56 = tpu.memref_slice %dma_start3A_55[%add3A_27] : memref<323584xi32, #tpu.memory_space<hbm>> -> memref<128xi32, #tpu.memory_space<hbm>>
        tpu.enqueue_dma source(%dma_start3A_56 : memref<128xi32, #tpu.memory_space<hbm>>) target(%arg10 : memref<128xi32, #tpu.memory_space<vmem>>) target_semaphore(%run_scoped3A : memref<!tpu.dma_semaphore, #tpu.memory_space<semaphore_mem>>)
        %dma_wait3A = arith.constant 0 : i32
        %dma_wait3A_57 = tpu.memref_slice %arg4[%arg0, %dma_wait3A] : memref<2x323584xi32, #tpu.memory_space<hbm>> -> memref<1x323584xi32, #tpu.memory_space<hbm>>
        %dma_wait3A_58 = tpu.memref_squeeze %dma_wait3A_57 : memref<1x323584xi32, #tpu.memory_space<hbm>> -> memref<323584xi32, #tpu.memory_space<hbm>>
        %dma_wait3A_59 = tpu.memref_slice %dma_wait3A_58[%add3A_27] : memref<323584xi32, #tpu.memory_space<hbm>> -> memref<128xi32, #tpu.memory_space<hbm>>
        %dma_wait3A_60 = arith.constant 0 : i32
        %dma_wait3A_61 = tpu.memref_slice %arg4[%arg0, %dma_wait3A_60] : memref<2x323584xi32, #tpu.memory_space<hbm>> -> memref<1x323584xi32, #tpu.memory_space<hbm>>
        %dma_wait3A_62 = tpu.memref_squeeze %dma_wait3A_61 : memref<1x323584xi32, #tpu.memory_space<hbm>> -> memref<323584xi32, #tpu.memory_space<hbm>>
        %dma_wait3A_63 = tpu.memref_slice %dma_wait3A_62[%add3A_27] : memref<323584xi32, #tpu.memory_space<hbm>> -> memref<128xi32, #tpu.memory_space<hbm>>
        tpu.wait_dma2 semaphore(%run_scoped3A : memref<!tpu.dma_semaphore, #tpu.memory_space<semaphore_mem>>) src(%dma_wait3A_63 : memref<128xi32, #tpu.memory_space<hbm>>) dst(%arg10 : memref<128xi32, #tpu.memory_space<vmem>>)
        tpu.yield
      }) : () -> ()
      %scan3A_28 = arith.constant 0 : i32
      %scan3A_29 = arith.constant 0 : i32
      %scan3A_30 = arith.constant 8 : i32
      %scan3A_31 = arith.addi %scan3A_29, %scan3A_30 : i32
      %scan3A_32 = arith.constant 1 : i32
      scf.for %scan3A_50 = %scan3A_29 to %scan3A_31 step %scan3A_32  : i32 {
        %mul3A_51 = arith.constant 16 : i32
        %mul3A_52 = arith.muli %scan3A_50, %mul3A_51 : i32
        %get3A = arith.index_cast %mul3A_52 : i32 to index
        %get3A_53 = tpu.vector_load %arg8[%get3A] {strides = array<i32>} : memref<128xi32, #tpu.memory_space<vmem>>, vector<16xi32>,
        %get3A_54 = vector.shape_cast %get3A_53 : vector<16xi32> to vector<16xi32>
        %add3A_55 = vector.broadcast %mul3A_6 : i32 to vector<16xi32>
        %add3A_56 = arith.addi %get3A_54, %add3A_55 : vector<16xi32>
        %swap3A = arith.index_cast %mul3A_52 : i32 to index
        %swap3A_57 = tpu.vector_load %arg8[%swap3A] {strides = array<i32>} : memref<128xi32, #tpu.memory_space<vmem>>, vector<16xi32>,
        %swap3A_58 = vector.shape_cast %swap3A_57 : vector<16xi32> to vector<16xi32>
        %swap3A_59 = vector.shape_cast %add3A_56 : vector<16xi32> to vector<16xi32>
        tpu.vector_store %arg8[%swap3A], %swap3A_59 {strides = array<i32>} : memref<128xi32, #tpu.memory_space<vmem>>, vector<16xi32>,
        %get3A_60 = arith.index_cast %mul3A_52 : i32 to index
        %get3A_61 = tpu.vector_load %arg10[%get3A_60] {strides = array<i32>} : memref<128xi32, #tpu.memory_space<vmem>>, vector<16xi32>,
        %get3A_62 = vector.shape_cast %get3A_61 : vector<16xi32> to vector<16xi32>
        %swap3A_63 = arith.index_cast %mul3A_52 : i32 to index
        %swap3A_64 = tpu.vector_load %arg12[%swap3A_63] {strides = array<i32>} : memref<128xi32, #tpu.memory_space<vmem>>, vector<16xi32>,
        %swap3A_65 = vector.shape_cast %swap3A_64 : vector<16xi32> to vector<16xi32>
        %swap3A_66 = vector.shape_cast %get3A_62 : vector<16xi32> to vector<16xi32>
        tpu.vector_store %arg12[%swap3A_63], %swap3A_66 {strides = array<i32>} : memref<128xi32, #tpu.memory_space<vmem>>, vector<16xi32>,
      }
      %scan3A_33 = arith.constant 8 : i32
      "tpu.region"() ({
        %run_scoped3A = tpu.sem_alloc : memref<!tpu.dma_semaphore, #tpu.memory_space<semaphore_mem>>
        %dma_start3A = arith.constant 0 : i32
        %dma_start3A_50 = arith.constant 0 : i32
        %dma_start3A_51 = tpu.memref_slice %arg2[%dma_start3A, %dma_start3A_50] : memref<20480x128xf32, #tpu.memory_space<hbm>> -> memref<20480x128xf32, #tpu.memory_space<hbm>>
        tpu.enqueue_indirect_dma source(%dma_start3A_51 : memref<20480x128xf32, #tpu.memory_space<hbm>>) target(%arg14 : memref<128x128xf32, #tpu.memory_space<vmem>>) offsets(%arg8 : memref<128xi32, #tpu.memory_space<vmem>>) semaphore(%run_scoped3A : memref<!tpu.dma_semaphore, #tpu.memory_space<semaphore_mem>>)
        %dma_wait3A = arith.constant 0 : i32
        %dma_wait3A_52 = arith.constant 0 : i32
        %dma_wait3A_53 = tpu.memref_slice %arg2[%dma_wait3A, %dma_wait3A_52] : memref<20480x128xf32, #tpu.memory_space<hbm>> -> memref<20480x128xf32, #tpu.memory_space<hbm>>
        tpu.wait_indirect_dma semaphore(%run_scoped3A : memref<!tpu.dma_semaphore, #tpu.memory_space<semaphore_mem>>) src(%dma_wait3A_53 : memref<20480x128xf32, #tpu.memory_space<hbm>>) dst(%arg14 : memref<128x128xf32, #tpu.memory_space<vmem>>)
        tpu.yield
      }) : () -> ()
      "tpu.region"() ({
        %run_scoped3A = tpu.sem_alloc : memref<!tpu.dma_semaphore, #tpu.memory_space<semaphore_mem>>
        %dma_start3A = arith.constant 0 : i32
        %dma_start3A_50 = arith.constant 0 : i32
        %dma_start3A_51 = tpu.memref_slice %arg7[%dma_start3A, %dma_start3A_50] : memref<10240x128xf32, #tpu.memory_space<vmem_shared>> -> memref<10240x128xf32, #tpu.memory_space<vmem_shared>>
        tpu.enqueue_indirect_dma source(%arg14 : memref<128x128xf32, #tpu.memory_space<vmem>>) target(%dma_start3A_51 : memref<10240x128xf32, #tpu.memory_space<vmem_shared>>) offsets(%arg12 : memref<128xi32, #tpu.memory_space<vmem>>) semaphore(%run_scoped3A : memref<!tpu.dma_semaphore, #tpu.memory_space<semaphore_mem>>) {add = true}
        %dma_wait3A = arith.constant 0 : i32
        %dma_wait3A_52 = arith.constant 0 : i32
        %dma_wait3A_53 = tpu.memref_slice %arg7[%dma_wait3A, %dma_wait3A_52] : memref<10240x128xf32, #tpu.memory_space<vmem_shared>> -> memref<10240x128xf32, #tpu.memory_space<vmem_shared>>
        tpu.wait_indirect_dma semaphore(%run_scoped3A : memref<!tpu.dma_semaphore, #tpu.memory_space<semaphore_mem>>) src(%arg14 : memref<128x128xf32, #tpu.memory_space<vmem>>) dst(%dma_wait3A_53 : memref<10240x128xf32, #tpu.memory_space<vmem_shared>>)
        tpu.yield
      }) : () -> ()
      %mul3A_34 = arith.constant 2 : i32
      %mul3A_35 = arith.muli %scan3A_18, %mul3A_34 : i32
      %add3A_36 = arith.constant 1 : i32
      %add3A_37 = arith.addi %mul3A_35, %add3A_36 : i32
      %mul3A_38 = arith.constant 128 : i32
      %mul3A_39 = arith.muli %add3A_37, %mul3A_38 : i32
      %add3A_40 = arith.addi %mul3A_4, %mul3A_39 : i32
      "tpu.region"() ({
        %run_scoped3A = tpu.sem_alloc : memref<!tpu.dma_semaphore, #tpu.memory_space<semaphore_mem>>
        %dma_start3A = arith.constant 0 : i32
        %dma_start3A_50 = tpu.memref_slice %arg3[%arg0, %dma_start3A] : memref<2x323584xi32, #tpu.memory_space<hbm>> -> memref<1x323584xi32, #tpu.memory_space<hbm>>
        %dma_start3A_51 = tpu.memref_squeeze %dma_start3A_50 : memref<1x323584xi32, #tpu.memory_space<hbm>> -> memref<323584xi32, #tpu.memory_space<hbm>>
        %dma_start3A_52 = tpu.memref_slice %dma_start3A_51[%add3A_40] : memref<323584xi32, #tpu.memory_space<hbm>> -> memref<128xi32, #tpu.memory_space<hbm>>
        %dma_start3A_53 = arith.constant 0 : i32
        %dma_start3A_54 = tpu.memref_slice %arg3[%arg0, %dma_start3A_53] : memref<2x323584xi32, #tpu.memory_space<hbm>> -> memref<1x323584xi32, #tpu.memory_space<hbm>>
        %dma_start3A_55 = tpu.memref_squeeze %dma_start3A_54 : memref<1x323584xi32, #tpu.memory_space<hbm>> -> memref<323584xi32, #tpu.memory_space<hbm>>
        %dma_start3A_56 = tpu.memref_slice %dma_start3A_55[%add3A_40] : memref<323584xi32, #tpu.memory_space<hbm>> -> memref<128xi32, #tpu.memory_space<hbm>>
        tpu.enqueue_dma source(%dma_start3A_56 : memref<128xi32, #tpu.memory_space<hbm>>) target(%arg9 : memref<128xi32, #tpu.memory_space<vmem>>) target_semaphore(%run_scoped3A : memref<!tpu.dma_semaphore, #tpu.memory_space<semaphore_mem>>)
        %dma_wait3A = arith.constant 0 : i32
        %dma_wait3A_57 = tpu.memref_slice %arg3[%arg0, %dma_wait3A] : memref<2x323584xi32, #tpu.memory_space<hbm>> -> memref<1x323584xi32, #tpu.memory_space<hbm>>
        %dma_wait3A_58 = tpu.memref_squeeze %dma_wait3A_57 : memref<1x323584xi32, #tpu.memory_space<hbm>> -> memref<323584xi32, #tpu.memory_space<hbm>>
        %dma_wait3A_59 = tpu.memref_slice %dma_wait3A_58[%add3A_40] : memref<323584xi32, #tpu.memory_space<hbm>> -> memref<128xi32, #tpu.memory_space<hbm>>
        %dma_wait3A_60 = arith.constant 0 : i32
        %dma_wait3A_61 = tpu.memref_slice %arg3[%arg0, %dma_wait3A_60] : memref<2x323584xi32, #tpu.memory_space<hbm>> -> memref<1x323584xi32, #tpu.memory_space<hbm>>
        %dma_wait3A_62 = tpu.memref_squeeze %dma_wait3A_61 : memref<1x323584xi32, #tpu.memory_space<hbm>> -> memref<323584xi32, #tpu.memory_space<hbm>>
        %dma_wait3A_63 = tpu.memref_slice %dma_wait3A_62[%add3A_40] : memref<323584xi32, #tpu.memory_space<hbm>> -> memref<128xi32, #tpu.memory_space<hbm>>
        tpu.wait_dma2 semaphore(%run_scoped3A : memref<!tpu.dma_semaphore, #tpu.memory_space<semaphore_mem>>) src(%dma_wait3A_63 : memref<128xi32, #tpu.memory_space<hbm>>) dst(%arg9 : memref<128xi32, #tpu.memory_space<vmem>>)
        tpu.yield
      }) : () -> ()
      %mul3A_41 = arith.constant 128 : i32
      %mul3A_42 = arith.muli %add3A_37, %mul3A_41 : i32
      %add3A_43 = arith.addi %mul3A_4, %mul3A_42 : i32
      "tpu.region"() ({
        %run_scoped3A = tpu.sem_alloc : memref<!tpu.dma_semaphore, #tpu.memory_space<semaphore_mem>>
        %dma_start3A = arith.constant 0 : i32
        %dma_start3A_50 = tpu.memref_slice %arg4[%arg0, %dma_start3A] : memref<2x323584xi32, #tpu.memory_space<hbm>> -> memref<1x323584xi32, #tpu.memory_space<hbm>>
        %dma_start3A_51 = tpu.memref_squeeze %dma_start3A_50 : memref<1x323584xi32, #tpu.memory_space<hbm>> -> memref<323584xi32, #tpu.memory_space<hbm>>
        %dma_start3A_52 = tpu.memref_slice %dma_start3A_51[%add3A_43] : memref<323584xi32, #tpu.memory_space<hbm>> -> memref<128xi32, #tpu.memory_space<hbm>>
        %dma_start3A_53 = arith.constant 0 : i32
        %dma_start3A_54 = tpu.memref_slice %arg4[%arg0, %dma_start3A_53] : memref<2x323584xi32, #tpu.memory_space<hbm>> -> memref<1x323584xi32, #tpu.memory_space<hbm>>
        %dma_start3A_55 = tpu.memref_squeeze %dma_start3A_54 : memref<1x323584xi32, #tpu.memory_space<hbm>> -> memref<323584xi32, #tpu.memory_space<hbm>>
        %dma_start3A_56 = tpu.memref_slice %dma_start3A_55[%add3A_43] : memref<323584xi32, #tpu.memory_space<hbm>> -> memref<128xi32, #tpu.memory_space<hbm>>
        tpu.enqueue_dma source(%dma_start3A_56 : memref<128xi32, #tpu.memory_space<hbm>>) target(%arg11 : memref<128xi32, #tpu.memory_space<vmem>>) target_semaphore(%run_scoped3A : memref<!tpu.dma_semaphore, #tpu.memory_space<semaphore_mem>>)
        %dma_wait3A = arith.constant 0 : i32
        %dma_wait3A_57 = tpu.memref_slice %arg4[%arg0, %dma_wait3A] : memref<2x323584xi32, #tpu.memory_space<hbm>> -> memref<1x323584xi32, #tpu.memory_space<hbm>>
        %dma_wait3A_58 = tpu.memref_squeeze %dma_wait3A_57 : memref<1x323584xi32, #tpu.memory_space<hbm>> -> memref<323584xi32, #tpu.memory_space<hbm>>
        %dma_wait3A_59 = tpu.memref_slice %dma_wait3A_58[%add3A_43] : memref<323584xi32, #tpu.memory_space<hbm>> -> memref<128xi32, #tpu.memory_space<hbm>>
        %dma_wait3A_60 = arith.constant 0 : i32
        %dma_wait3A_61 = tpu.memref_slice %arg4[%arg0, %dma_wait3A_60] : memref<2x323584xi32, #tpu.memory_space<hbm>> -> memref<1x323584xi32, #tpu.memory_space<hbm>>
        %dma_wait3A_62 = tpu.memref_squeeze %dma_wait3A_61 : memref<1x323584xi32, #tpu.memory_space<hbm>> -> memref<323584xi32, #tpu.memory_space<hbm>>
        %dma_wait3A_63 = tpu.memref_slice %dma_wait3A_62[%add3A_43] : memref<323584xi32, #tpu.memory_space<hbm>> -> memref<128xi32, #tpu.memory_space<hbm>>
        tpu.wait_dma2 semaphore(%run_scoped3A : memref<!tpu.dma_semaphore, #tpu.memory_space<semaphore_mem>>) src(%dma_wait3A_63 : memref<128xi32, #tpu.memory_space<hbm>>) dst(%arg11 : memref<128xi32, #tpu.memory_space<vmem>>)
        tpu.yield
      }) : () -> ()
      %scan3A_44 = arith.constant 0 : i32
      %scan3A_45 = arith.constant 0 : i32
      %scan3A_46 = arith.constant 8 : i32
      %scan3A_47 = arith.addi %scan3A_45, %scan3A_46 : i32
      %scan3A_48 = arith.constant 1 : i32
      scf.for %scan3A_50 = %scan3A_45 to %scan3A_47 step %scan3A_48  : i32 {
        %mul3A_51 = arith.constant 16 : i32
        %mul3A_52 = arith.muli %scan3A_50, %mul3A_51 : i32
        %get3A = arith.index_cast %mul3A_52 : i32 to index
        %get3A_53 = tpu.vector_load %arg9[%get3A] {strides = array<i32>} : memref<128xi32, #tpu.memory_space<vmem>>, vector<16xi32>,
        %get3A_54 = vector.shape_cast %get3A_53 : vector<16xi32> to vector<16xi32>
        %add3A_55 = vector.broadcast %mul3A_6 : i32 to vector<16xi32>
        %add3A_56 = arith.addi %get3A_54, %add3A_55 : vector<16xi32>
        %swap3A = arith.index_cast %mul3A_52 : i32 to index
        %swap3A_57 = tpu.vector_load %arg9[%swap3A] {strides = array<i32>} : memref<128xi32, #tpu.memory_space<vmem>>, vector<16xi32>,
        %swap3A_58 = vector.shape_cast %swap3A_57 : vector<16xi32> to vector<16xi32>
        %swap3A_59 = vector.shape_cast %add3A_56 : vector<16xi32> to vector<16xi32>
        tpu.vector_store %arg9[%swap3A], %swap3A_59 {strides = array<i32>} : memref<128xi32, #tpu.memory_space<vmem>>, vector<16xi32>,
        %get3A_60 = arith.index_cast %mul3A_52 : i32 to index
        %get3A_61 = tpu.vector_load %arg11[%get3A_60] {strides = array<i32>} : memref<128xi32, #tpu.memory_space<vmem>>, vector<16xi32>,
        %get3A_62 = vector.shape_cast %get3A_61 : vector<16xi32> to vector<16xi32>
        %swap3A_63 = arith.index_cast %mul3A_52 : i32 to index
        %swap3A_64 = tpu.vector_load %arg13[%swap3A_63] {strides = array<i32>} : memref<128xi32, #tpu.memory_space<vmem>>, vector<16xi32>,
        %swap3A_65 = vector.shape_cast %swap3A_64 : vector<16xi32> to vector<16xi32>
        %swap3A_66 = vector.shape_cast %get3A_62 : vector<16xi32> to vector<16xi32>
        tpu.vector_store %arg13[%swap3A_63], %swap3A_66 {strides = array<i32>} : memref<128xi32, #tpu.memory_space<vmem>>, vector<16xi32>,
      }
      %scan3A_49 = arith.constant 8 : i32
      "tpu.region"() ({
        %run_scoped3A = tpu.sem_alloc : memref<!tpu.dma_semaphore, #tpu.memory_space<semaphore_mem>>
        %dma_start3A = arith.constant 0 : i32
        %dma_start3A_50 = arith.constant 0 : i32
        %dma_start3A_51 = tpu.memref_slice %arg2[%dma_start3A, %dma_start3A_50] : memref<20480x128xf32, #tpu.memory_space<hbm>> -> memref<20480x128xf32, #tpu.memory_space<hbm>>
        tpu.enqueue_indirect_dma source(%dma_start3A_51 : memref<20480x128xf32, #tpu.memory_space<hbm>>) target(%arg15 : memref<128x128xf32, #tpu.memory_space<vmem>>) offsets(%arg9 : memref<128xi32, #tpu.memory_space<vmem>>) semaphore(%run_scoped3A : memref<!tpu.dma_semaphore, #tpu.memory_space<semaphore_mem>>)
        %dma_wait3A = arith.constant 0 : i32
        %dma_wait3A_52 = arith.constant 0 : i32
        %dma_wait3A_53 = tpu.memref_slice %arg2[%dma_wait3A, %dma_wait3A_52] : memref<20480x128xf32, #tpu.memory_space<hbm>> -> memref<20480x128xf32, #tpu.memory_space<hbm>>
        tpu.wait_indirect_dma semaphore(%run_scoped3A : memref<!tpu.dma_semaphore, #tpu.memory_space<semaphore_mem>>) src(%dma_wait3A_53 : memref<20480x128xf32, #tpu.memory_space<hbm>>) dst(%arg15 : memref<128x128xf32, #tpu.memory_space<vmem>>)
        tpu.yield
      }) : () -> ()
      "tpu.region"() ({
        %run_scoped3A = tpu.sem_alloc : memref<!tpu.dma_semaphore, #tpu.memory_space<semaphore_mem>>
        %dma_start3A = arith.constant 0 : i32
        %dma_start3A_50 = arith.constant 0 : i32
        %dma_start3A_51 = tpu.memref_slice %arg7[%dma_start3A, %dma_start3A_50] : memref<10240x128xf32, #tpu.memory_space<vmem_shared>> -> memref<10240x128xf32, #tpu.memory_space<vmem_shared>>
        tpu.enqueue_indirect_dma source(%arg15 : memref<128x128xf32, #tpu.memory_space<vmem>>) target(%dma_start3A_51 : memref<10240x128xf32, #tpu.memory_space<vmem_shared>>) offsets(%arg13 : memref<128xi32, #tpu.memory_space<vmem>>) semaphore(%run_scoped3A : memref<!tpu.dma_semaphore, #tpu.memory_space<semaphore_mem>>) {add = true}
        %dma_wait3A = arith.constant 0 : i32
        %dma_wait3A_52 = arith.constant 0 : i32
        %dma_wait3A_53 = tpu.memref_slice %arg7[%dma_wait3A, %dma_wait3A_52] : memref<10240x128xf32, #tpu.memory_space<vmem_shared>> -> memref<10240x128xf32, #tpu.memory_space<vmem_shared>>
        tpu.wait_indirect_dma semaphore(%run_scoped3A : memref<!tpu.dma_semaphore, #tpu.memory_space<semaphore_mem>>) src(%arg15 : memref<128x128xf32, #tpu.memory_space<vmem>>) dst(%dma_wait3A_53 : memref<10240x128xf32, #tpu.memory_space<vmem_shared>>)
        tpu.yield
      }) : () -> ()
    }
    %scan3A_11 = arith.constant 79 : i32
    %barrier3A_12 = arith.constant 0 : index
    tpu.barrier barrier_id(%barrier3A_12)
    %delay3A = arith.constant 20000 : i32
    tpu.delay %delay3A
    %barrier3A_13 = arith.constant 0 : index
    tpu.barrier barrier_id(%barrier3A_13)
    %mul3A_14 = arith.constant 640 : i32
    %mul3A_15 = arith.muli %arg1, %mul3A_14 : i32
    %mul3A_16 = arith.constant 640 : i32
    %mul3A_17 = arith.muli %arg1, %mul3A_16 : i32
    "tpu.region"() ({
      %run_scoped3A = tpu.sem_alloc : memref<!tpu.dma_semaphore, #tpu.memory_space<semaphore_mem>>
      %dma_start3A = arith.constant 0 : i32
      %dma_start3A_18 = arith.constant 0 : i32
      %dma_start3A_19 = tpu.memref_slice %arg6[%arg0, %dma_start3A, %dma_start3A_18] : memref<2x10240x128xf32, #tpu.memory_space<hbm>> -> memref<1x10240x128xf32, #tpu.memory_space<hbm>>
      %dma_start3A_20 = tpu.memref_squeeze %dma_start3A_19 : memref<1x10240x128xf32, #tpu.memory_space<hbm>> -> memref<10240x128xf32, #tpu.memory_space<hbm>>
      %dma_start3A_21 = arith.constant 0 : i32
      %dma_start3A_22 = tpu.memref_slice %dma_start3A_20[%mul3A_17, %dma_start3A_21] : memref<10240x128xf32, #tpu.memory_space<hbm>> -> memref<640x128xf32, #tpu.memory_space<hbm>>
      %dma_start3A_23 = arith.constant 0 : i32
      %dma_start3A_24 = tpu.memref_slice %arg7[%mul3A_15, %dma_start3A_23] : memref<10240x128xf32, #tpu.memory_space<vmem_shared>> -> memref<640x128xf32, #tpu.memory_space<vmem_shared>>
      tpu.enqueue_dma source(%dma_start3A_24 : memref<640x128xf32, #tpu.memory_space<vmem_shared>>) target(%dma_start3A_22 : memref<640x128xf32, #tpu.memory_space<hbm>>) target_semaphore(%run_scoped3A : memref<!tpu.dma_semaphore, #tpu.memory_space<semaphore_mem>>)
      %dma_wait3A = arith.constant 0 : i32
      %dma_wait3A_25 = arith.constant 0 : i32
      %dma_wait3A_26 = tpu.memref_slice %arg6[%arg0, %dma_wait3A, %dma_wait3A_25] : memref<2x10240x128xf32, #tpu.memory_space<hbm>> -> memref<1x10240x128xf32, #tpu.memory_space<hbm>>
      %dma_wait3A_27 = tpu.memref_squeeze %dma_wait3A_26 : memref<1x10240x128xf32, #tpu.memory_space<hbm>> -> memref<10240x128xf32, #tpu.memory_space<hbm>>
      %dma_wait3A_28 = arith.constant 0 : i32
      %dma_wait3A_29 = tpu.memref_slice %dma_wait3A_27[%mul3A_17, %dma_wait3A_28] : memref<10240x128xf32, #tpu.memory_space<hbm>> -> memref<640x128xf32, #tpu.memory_space<hbm>>
      %dma_wait3A_30 = arith.constant 0 : i32
      %dma_wait3A_31 = tpu.memref_slice %arg7[%mul3A_15, %dma_wait3A_30] : memref<10240x128xf32, #tpu.memory_space<vmem_shared>> -> memref<640x128xf32, #tpu.memory_space<vmem_shared>>
      tpu.wait_dma2 semaphore(%run_scoped3A : memref<!tpu.dma_semaphore, #tpu.memory_space<semaphore_mem>>) src(%dma_wait3A_31 : memref<640x128xf32, #tpu.memory_space<vmem_shared>>) dst(%dma_wait3A_29 : memref<640x128xf32, #tpu.memory_space<hbm>>)
      tpu.yield
    }) : () -> ()
    return
  }
}

#map = affine_map<(d0, d1) -> (0, 0)>
#map1 = affine_map<(d0, d1) -> (0)>
#map2 = affine_map<(d0, d1) -> (0, 0, 0)>
module attributes {stable_mosaic.version = 14 : i64} {
  func.func @_sc_root_body(%arg0: i32, %arg1: i32, %arg2: memref<20480x128xf32, #tpu.memory_space<hbm>>, %arg3: memref<128xi32, #tpu.memory_space<hbm>>, %arg4: memref<2x128x128xf32, #tpu.memory_space<hbm>>, %arg5: memref<128xi32, #tpu.memory_space<vmem>>, %arg6: memref<128x128xf32, #tpu.memory_space<vmem>>) attributes {dimension_semantics = [#tpu.dimension_semantics<core_parallel>, #tpu.dimension_semantics<subcore_parallel>], iteration_bounds = array<i64: 2, 16>, scalar_prefetch = 0 : i64, scratch_operands = 2 : i64, tpu.core_type = #tpu.core_type<sc_vector_subcore>, window_params = [{transform_indices = #map}, {transform_indices = #map1}, {transform_indices = #map2}]} {
    %eq3A = arith.constant 0 : i32
    %eq3A_0 = arith.cmpi eq, %arg1, %eq3A : i32
    %convert_element_type3A = arith.extui %eq3A_0 : i1 to i32
    %cond3A = arith.constant 0 : i32
    %cond3A_1 = arith.cmpi ne, %convert_element_type3A, %cond3A : i32
    scf.if %cond3A_1 {
      "tpu.region"() ({
        %run_scoped3A = tpu.sem_alloc : memref<!tpu.dma_semaphore, #tpu.memory_space<semaphore_mem>>
        tpu.enqueue_dma source(%arg3 : memref<128xi32, #tpu.memory_space<hbm>>) target(%arg5 : memref<128xi32, #tpu.memory_space<vmem>>) target_semaphore(%run_scoped3A : memref<!tpu.dma_semaphore, #tpu.memory_space<semaphore_mem>>)
        tpu.wait_dma2 semaphore(%run_scoped3A : memref<!tpu.dma_semaphore, #tpu.memory_space<semaphore_mem>>) src(%arg3 : memref<128xi32, #tpu.memory_space<hbm>>) dst(%arg5 : memref<128xi32, #tpu.memory_space<vmem>>)
        tpu.yield
      }) : () -> ()
      %scan3A = arith.constant 0 : i32
      %scan3A_2 = arith.constant 0 : i32
      %scan3A_3 = arith.constant 8 : i32
      %scan3A_4 = arith.addi %scan3A_2, %scan3A_3 : i32
      %scan3A_5 = arith.constant 1 : i32
      scf.for %scan3A_7 = %scan3A_2 to %scan3A_4 step %scan3A_5  : i32 {
        %mul3A = arith.constant 16 : i32
        %mul3A_8 = arith.muli %scan3A_7, %mul3A : i32
        %get3A = arith.index_cast %mul3A_8 : i32 to index
        %get3A_9 = tpu.vector_load %arg5[%get3A] {strides = array<i32>} : memref<128xi32, #tpu.memory_space<vmem>>, vector<16xi32>,
        %get3A_10 = vector.shape_cast %get3A_9 : vector<16xi32> to vector<16xi32>
        %mul3A_11 = arith.constant 10240 : i32
        %mul3A_12 = arith.muli %arg0, %mul3A_11 : i32
        %add3A = vector.broadcast %mul3A_12 : i32 to vector<16xi32>
        %add3A_13 = arith.addi %get3A_10, %add3A : vector<16xi32>
        %mul3A_14 = arith.constant 16 : i32
        %mul3A_15 = arith.muli %scan3A_7, %mul3A_14 : i32
        %swap3A = arith.index_cast %mul3A_15 : i32 to index
        %swap3A_16 = tpu.vector_load %arg5[%swap3A] {strides = array<i32>} : memref<128xi32, #tpu.memory_space<vmem>>, vector<16xi32>,
        %swap3A_17 = vector.shape_cast %swap3A_16 : vector<16xi32> to vector<16xi32>
        %swap3A_18 = vector.shape_cast %add3A_13 : vector<16xi32> to vector<16xi32>
        tpu.vector_store %arg5[%swap3A], %swap3A_18 {strides = array<i32>} : memref<128xi32, #tpu.memory_space<vmem>>, vector<16xi32>,
      }
      %scan3A_6 = arith.constant 8 : i32
      "tpu.region"() ({
        %run_scoped3A = tpu.sem_alloc : memref<!tpu.dma_semaphore, #tpu.memory_space<semaphore_mem>>
        %dma_start3A = arith.constant 0 : i32
        %dma_start3A_7 = arith.constant 0 : i32
        %dma_start3A_8 = tpu.memref_slice %arg2[%dma_start3A, %dma_start3A_7] : memref<20480x128xf32, #tpu.memory_space<hbm>> -> memref<20480x128xf32, #tpu.memory_space<hbm>>
        tpu.enqueue_indirect_dma source(%dma_start3A_8 : memref<20480x128xf32, #tpu.memory_space<hbm>>) target(%arg6 : memref<128x128xf32, #tpu.memory_space<vmem>>) offsets(%arg5 : memref<128xi32, #tpu.memory_space<vmem>>) semaphore(%run_scoped3A : memref<!tpu.dma_semaphore, #tpu.memory_space<semaphore_mem>>)
        %dma_wait3A = arith.constant 0 : i32
        %dma_wait3A_9 = arith.constant 0 : i32
        %dma_wait3A_10 = tpu.memref_slice %arg2[%dma_wait3A, %dma_wait3A_9] : memref<20480x128xf32, #tpu.memory_space<hbm>> -> memref<20480x128xf32, #tpu.memory_space<hbm>>
        tpu.wait_indirect_dma semaphore(%run_scoped3A : memref<!tpu.dma_semaphore, #tpu.memory_space<semaphore_mem>>) src(%dma_wait3A_10 : memref<20480x128xf32, #tpu.memory_space<hbm>>) dst(%arg6 : memref<128x128xf32, #tpu.memory_space<vmem>>)
        tpu.yield
      }) : () -> ()
      "tpu.region"() ({
        %run_scoped3A = tpu.sem_alloc : memref<!tpu.dma_semaphore, #tpu.memory_space<semaphore_mem>>
        %dma_start3A = arith.constant 0 : i32
        %dma_start3A_7 = arith.constant 0 : i32
        %dma_start3A_8 = tpu.memref_slice %arg4[%arg0, %dma_start3A, %dma_start3A_7] : memref<2x128x128xf32, #tpu.memory_space<hbm>> -> memref<1x128x128xf32, #tpu.memory_space<hbm>>
        %dma_start3A_9 = tpu.memref_squeeze %dma_start3A_8 : memref<1x128x128xf32, #tpu.memory_space<hbm>> -> memref<128x128xf32, #tpu.memory_space<hbm>>
        %dma_start3A_10 = arith.constant 0 : i32
        %dma_start3A_11 = arith.constant 0 : i32
        %dma_start3A_12 = tpu.memref_slice %arg4[%arg0, %dma_start3A_10, %dma_start3A_11] : memref<2x128x128xf32, #tpu.memory_space<hbm>> -> memref<1x128x128xf32, #tpu.memory_space<hbm>>
        %dma_start3A_13 = tpu.memref_squeeze %dma_start3A_12 : memref<1x128x128xf32, #tpu.memory_space<hbm>> -> memref<128x128xf32, #tpu.memory_space<hbm>>
        tpu.enqueue_dma source(%arg6 : memref<128x128xf32, #tpu.memory_space<vmem>>) target(%dma_start3A_13 : memref<128x128xf32, #tpu.memory_space<hbm>>) target_semaphore(%run_scoped3A : memref<!tpu.dma_semaphore, #tpu.memory_space<semaphore_mem>>)
        %dma_wait3A = arith.constant 0 : i32
        %dma_wait3A_14 = arith.constant 0 : i32
        %dma_wait3A_15 = tpu.memref_slice %arg4[%arg0, %dma_wait3A, %dma_wait3A_14] : memref<2x128x128xf32, #tpu.memory_space<hbm>> -> memref<1x128x128xf32, #tpu.memory_space<hbm>>
        %dma_wait3A_16 = tpu.memref_squeeze %dma_wait3A_15 : memref<1x128x128xf32, #tpu.memory_space<hbm>> -> memref<128x128xf32, #tpu.memory_space<hbm>>
        %dma_wait3A_17 = arith.constant 0 : i32
        %dma_wait3A_18 = arith.constant 0 : i32
        %dma_wait3A_19 = tpu.memref_slice %arg4[%arg0, %dma_wait3A_17, %dma_wait3A_18] : memref<2x128x128xf32, #tpu.memory_space<hbm>> -> memref<1x128x128xf32, #tpu.memory_space<hbm>>
        %dma_wait3A_20 = tpu.memref_squeeze %dma_wait3A_19 : memref<1x128x128xf32, #tpu.memory_space<hbm>> -> memref<128x128xf32, #tpu.memory_space<hbm>>
        tpu.wait_dma2 semaphore(%run_scoped3A : memref<!tpu.dma_semaphore, #tpu.memory_space<semaphore_mem>>) src(%arg6 : memref<128x128xf32, #tpu.memory_space<vmem>>) dst(%dma_wait3A_20 : memref<128x128xf32, #tpu.memory_space<hbm>>)
        tpu.yield
      }) : () -> ()
    } else {
    }
    return
  }
}

module attributes {stable_mosaic.version = 14 : i64} {
  func.func @_tc_prep_body(%arg0: i32, %arg1: i32, %arg2: memref<1x640x16xf32, #tpu.memory_space<vmem>>, %arg3: memref<640x128xf32, #tpu.memory_space<vmem>>, %arg4: memref<1x128x128xf32, #tpu.memory_space<vmem>>, %arg5: memref<1x640x1xf32, #tpu.memory_space<vmem>>, %arg6: memref<1x640x128xf32, #tpu.memory_space<vmem>>) attributes {dimension_semantics = [#tpu.dimension_semantics<arbitrary>, #tpu.dimension_semantics<arbitrary>], iteration_bounds = array<i64: 2, 16>, scalar_prefetch = 0 : i64, scratch_operands = 0 : i64, tpu.core_type = #tpu.core_type<tc>, window_params = [{transform_indices = @transform_0, window_bounds = array<i64: 1, 640, 16>}, {transform_indices = @transform_1, window_bounds = array<i64: 640, 128>}, {transform_indices = @transform_2, window_bounds = array<i64: 1, 128, 128>}, {transform_indices = @transform_3, window_bounds = array<i64: 1, 640, 1>}, {transform_indices = @transform_4, window_bounds = array<i64: 1, 640, 128>}]} {
    %get3A = arith.constant 0 : index
    %get3A_0 = arith.constant 0 : index
    %get3A_1 = arith.constant 0 : index
    %get3A_2 = vector.load %arg2[%get3A, %get3A_0, %get3A_1] : memref<1x640x16xf32, #tpu.memory_space<vmem>>, vector<1x640x1xf32>
    %get3A_3 = vector.shape_cast %get3A_2 : vector<1x640x1xf32> to vector<640xf32>
    %add3A = arith.constant 1.000000e+00 : f32
    %add3A_4 = vector.broadcast %add3A : f32 to vector<640xf32>
    %add3A_5 = arith.addf %get3A_3, %add3A_4 : vector<640xf32>
    %rsqrt3A = math.rsqrt %add3A_5 : vector<640xf32>
    %get3A_6 = arith.constant 0 : index
    %get3A_7 = arith.constant 0 : index
    %get3A_8 = vector.load %arg3[%get3A_6, %get3A_7] : memref<640x128xf32, #tpu.memory_space<vmem>>, vector<640x128xf32>
    %get3A_9 = arith.constant 0 : index
    %get3A_10 = arith.constant 0 : index
    %get3A_11 = arith.constant 0 : index
    %get3A_12 = vector.load %arg4[%get3A_9, %get3A_10, %get3A_11] : memref<1x128x128xf32, #tpu.memory_space<vmem>>, vector<1x128x128xf32>
    %get3A_13 = vector.shape_cast %get3A_12 : vector<1x128x128xf32> to vector<128x128xf32>
    %dot_general3A = arith.constant dense<0.000000e+00> : vector<640x128xf32>
    %dot_general3A_14 = tpu.matmul %get3A_8, %get3A_13, %dot_general3A {dimension_numbers = #tpu.dot_dimension_numbers<[1], [0], [0], [1], [0, 0, 1, 1], [], []>, transpose_lhs_hint = false} : vector<640x128xf32>, vector<128x128xf32>, vector<640x128xf32> -> vector<640x128xf32>
    %swap3A = arith.constant 0 : index
    %swap3A_15 = arith.constant 0 : index
    %swap3A_16 = arith.constant 0 : index
    %swap3A_17 = vector.load %arg5[%swap3A, %swap3A_15, %swap3A_16] : memref<1x640x1xf32, #tpu.memory_space<vmem>>, vector<1x640x1xf32>
    %swap3A_18 = vector.shape_cast %swap3A_17 : vector<1x640x1xf32> to vector<640xf32>
    %swap3A_19 = vector.shape_cast %rsqrt3A : vector<640xf32> to vector<1x640x1xf32>
    tpu.vector_store %arg5[%swap3A, %swap3A_15, %swap3A_16], %swap3A_19 {strides = array<i32>} : memref<1x640x1xf32, #tpu.memory_space<vmem>>, vector<1x640x1xf32>,
    %broadcast_in_dim3A = vector.shape_cast %rsqrt3A : vector<640xf32> to vector<640x1xf32>
    %mul3A = vector.broadcast %broadcast_in_dim3A : vector<640x1xf32> to vector<640x128xf32>
    %mul3A_20 = arith.mulf %dot_general3A_14, %mul3A : vector<640x128xf32>
    %swap3A_21 = arith.constant 0 : index
    %swap3A_22 = arith.constant 0 : index
    %swap3A_23 = arith.constant 0 : index
    %swap3A_24 = vector.load %arg6[%swap3A_21, %swap3A_22, %swap3A_23] : memref<1x640x128xf32, #tpu.memory_space<vmem>>, vector<1x640x128xf32>
    %swap3A_25 = vector.shape_cast %swap3A_24 : vector<1x640x128xf32> to vector<640x128xf32>
    %swap3A_26 = vector.shape_cast %mul3A_20 : vector<640x128xf32> to vector<1x640x128xf32>
    tpu.vector_store %arg6[%swap3A_21, %swap3A_22, %swap3A_23], %swap3A_26 {strides = array<i32>} : memref<1x640x128xf32, #tpu.memory_space<vmem>>, vector<1x640x128xf32>,
    return
  }
  func.func @transform_0(%arg0: i32, %arg1: i32) -> (i32, i32, i32) {
    %c0_i32 = arith.constant 0 : i32
    %c0_i32_0 = arith.constant 0 : i32
    return %arg0, %arg1, %c0_i32 : i32, i32, i32
  }
  func.func @transform_1(%arg0: i32, %arg1: i32) -> (i32, i32) {
    %c0_i32 = arith.constant 0 : i32
    %c0_i32_0 = arith.constant 0 : i32
    return %arg1, %c0_i32 : i32, i32
  }
  func.func @transform_2(%arg0: i32, %arg1: i32) -> (i32, i32, i32) {
    %c0_i32 = arith.constant 0 : i32
    %c0_i32_0 = arith.constant 0 : i32
    %c0_i32_1 = arith.constant 0 : i32
    return %arg0, %c0_i32, %c0_i32_0 : i32, i32, i32
  }
  func.func @transform_3(%arg0: i32, %arg1: i32) -> (i32, i32, i32) {
    %c0_i32 = arith.constant 0 : i32
    %c0_i32_0 = arith.constant 0 : i32
    return %arg0, %arg1, %c0_i32 : i32, i32, i32
  }
  func.func @transform_4(%arg0: i32, %arg1: i32) -> (i32, i32, i32) {
    %c0_i32 = arith.constant 0 : i32
    %c0_i32_0 = arith.constant 0 : i32
    return %arg0, %arg1, %c0_i32 : i32, i32, i32
  }
}

module attributes {stable_mosaic.version = 14 : i64} {
  func.func @_tc_mid_body(%arg0: i32, %arg1: i32, %arg2: memref<1x640x128xf32, #tpu.memory_space<vmem>>, %arg3: memref<1x640x128xf32, #tpu.memory_space<vmem>>, %arg4: memref<1x640x1xf32, #tpu.memory_space<vmem>>, %arg5: memref<1x1x128xf32, #tpu.memory_space<vmem>>, %arg6: memref<1x128x128xf32, #tpu.memory_space<vmem>>, %arg7: memref<1x640x128xf32, #tpu.memory_space<vmem>>) attributes {dimension_semantics = [#tpu.dimension_semantics<arbitrary>, #tpu.dimension_semantics<arbitrary>], iteration_bounds = array<i64: 2, 16>, scalar_prefetch = 0 : i64, scratch_operands = 0 : i64, tpu.core_type = #tpu.core_type<tc>, window_params = [{transform_indices = @transform_0, window_bounds = array<i64: 1, 640, 128>}, {transform_indices = @transform_1, window_bounds = array<i64: 1, 640, 128>}, {transform_indices = @transform_2, window_bounds = array<i64: 1, 640, 1>}, {transform_indices = @transform_3, window_bounds = array<i64: 1, 1, 128>}, {transform_indices = @transform_4, window_bounds = array<i64: 1, 128, 128>}, {transform_indices = @transform_5, window_bounds = array<i64: 1, 640, 128>}]} {
    %get3A = arith.constant 0 : index
    %get3A_0 = arith.constant 0 : index
    %get3A_1 = arith.constant 0 : index
    %get3A_2 = vector.load %arg4[%get3A, %get3A_0, %get3A_1] : memref<1x640x1xf32, #tpu.memory_space<vmem>>, vector<1x640x1xf32>
    %get3A_3 = vector.shape_cast %get3A_2 : vector<1x640x1xf32> to vector<640x1xf32>
    %get3A_4 = arith.constant 0 : index
    %get3A_5 = arith.constant 0 : index
    %get3A_6 = arith.constant 0 : index
    %get3A_7 = vector.load %arg2[%get3A_4, %get3A_5, %get3A_6] : memref<1x640x128xf32, #tpu.memory_space<vmem>>, vector<1x640x128xf32>
    %get3A_8 = vector.shape_cast %get3A_7 : vector<1x640x128xf32> to vector<640x128xf32>
    %get3A_9 = arith.constant 0 : index
    %get3A_10 = arith.constant 0 : index
    %get3A_11 = arith.constant 0 : index
    %get3A_12 = vector.load %arg3[%get3A_9, %get3A_10, %get3A_11] : memref<1x640x128xf32, #tpu.memory_space<vmem>>, vector<1x640x128xf32>
    %get3A_13 = vector.shape_cast %get3A_12 : vector<1x640x128xf32> to vector<640x128xf32>
    %add3A = arith.addf %get3A_8, %get3A_13 : vector<640x128xf32>
    %mul3A = vector.broadcast %get3A_3 : vector<640x1xf32> to vector<640x128xf32>
    %mul3A_14 = arith.mulf %mul3A, %add3A : vector<640x128xf32>
    %get3A_15 = arith.constant 0 : index
    %get3A_16 = arith.constant 0 : index
    %get3A_17 = arith.constant 0 : index
    %get3A_18 = vector.load %arg5[%get3A_15, %get3A_16, %get3A_17] : memref<1x1x128xf32, #tpu.memory_space<vmem>>, vector<1x1x128xf32>
    %get3A_19 = vector.shape_cast %get3A_18 : vector<1x1x128xf32> to vector<1x128xf32>
    %add3A_20 = vector.broadcast %get3A_19 : vector<1x128xf32> to vector<640x128xf32>
    %add3A_21 = arith.addf %mul3A_14, %add3A_20 : vector<640x128xf32>
    %gt3A = arith.constant 0.000000e+00 : f32
    %gt3A_22 = vector.broadcast %gt3A : f32 to vector<640x128xf32>
    %gt3A_23 = arith.cmpf ogt, %add3A_21, %gt3A_22 : vector<640x128xf32>
    %exp3A = math.exp %add3A_21 : vector<640x128xf32>
    %sub3A = arith.constant 1.000000e+00 : f32
    %sub3A_24 = vector.broadcast %sub3A : f32 to vector<640x128xf32>
    %sub3A_25 = arith.subf %exp3A, %sub3A_24 : vector<640x128xf32>
    %select_n3A = arith.select %gt3A_23, %add3A_21, %sub3A_25 : vector<640x128xi1>, vector<640x128xf32>
    %get3A_26 = arith.constant 0 : index
    %get3A_27 = arith.constant 0 : index
    %get3A_28 = arith.constant 0 : index
    %get3A_29 = vector.load %arg6[%get3A_26, %get3A_27, %get3A_28] : memref<1x128x128xf32, #tpu.memory_space<vmem>>, vector<1x128x128xf32>
    %get3A_30 = vector.shape_cast %get3A_29 : vector<1x128x128xf32> to vector<128x128xf32>
    %dot_general3A = arith.constant dense<0.000000e+00> : vector<640x128xf32>
    %dot_general3A_31 = tpu.matmul %select_n3A, %get3A_30, %dot_general3A {dimension_numbers = #tpu.dot_dimension_numbers<[1], [0], [0], [1], [0, 0, 1, 1], [], []>, transpose_lhs_hint = false} : vector<640x128xf32>, vector<128x128xf32>, vector<640x128xf32> -> vector<640x128xf32>
    %mul3A_32 = vector.broadcast %get3A_3 : vector<640x1xf32> to vector<640x128xf32>
    %mul3A_33 = arith.mulf %dot_general3A_31, %mul3A_32 : vector<640x128xf32>
    %swap3A = arith.constant 0 : index
    %swap3A_34 = arith.constant 0 : index
    %swap3A_35 = arith.constant 0 : index
    %swap3A_36 = vector.load %arg7[%swap3A, %swap3A_34, %swap3A_35] : memref<1x640x128xf32, #tpu.memory_space<vmem>>, vector<1x640x128xf32>
    %swap3A_37 = vector.shape_cast %swap3A_36 : vector<1x640x128xf32> to vector<640x128xf32>
    %swap3A_38 = vector.shape_cast %mul3A_33 : vector<640x128xf32> to vector<1x640x128xf32>
    tpu.vector_store %arg7[%swap3A, %swap3A_34, %swap3A_35], %swap3A_38 {strides = array<i32>} : memref<1x640x128xf32, #tpu.memory_space<vmem>>, vector<1x640x128xf32>,
    return
  }
  func.func @transform_0(%arg0: i32, %arg1: i32) -> (i32, i32, i32) {
    %c0_i32 = arith.constant 0 : i32
    %c0_i32_0 = arith.constant 0 : i32
    return %arg0, %arg1, %c0_i32 : i32, i32, i32
  }
  func.func @transform_1(%arg0: i32, %arg1: i32) -> (i32, i32, i32) {
    %c0_i32 = arith.constant 0 : i32
    %c0_i32_0 = arith.constant 0 : i32
    return %arg0, %arg1, %c0_i32 : i32, i32, i32
  }
  func.func @transform_2(%arg0: i32, %arg1: i32) -> (i32, i32, i32) {
    %c0_i32 = arith.constant 0 : i32
    %c0_i32_0 = arith.constant 0 : i32
    return %arg0, %arg1, %c0_i32 : i32, i32, i32
  }
  func.func @transform_3(%arg0: i32, %arg1: i32) -> (i32, i32, i32) {
    %c0_i32 = arith.constant 0 : i32
    %c0_i32_0 = arith.constant 0 : i32
    %c0_i32_1 = arith.constant 0 : i32
    return %arg0, %c0_i32, %c0_i32_0 : i32, i32, i32
  }
  func.func @transform_4(%arg0: i32, %arg1: i32) -> (i32, i32, i32) {
    %c0_i32 = arith.constant 0 : i32
    %c0_i32_0 = arith.constant 0 : i32
    %c0_i32_1 = arith.constant 0 : i32
    return %arg0, %c0_i32, %c0_i32_0 : i32, i32, i32
  }
  func.func @transform_5(%arg0: i32, %arg1: i32) -> (i32, i32, i32) {
    %c0_i32 = arith.constant 0 : i32
    %c0_i32_0 = arith.constant 0 : i32
    return %arg0, %arg1, %c0_i32 : i32, i32, i32
  }
}

module attributes {stable_mosaic.version = 14 : i64} {
  func.func @_tc_post_body(%arg0: i32, %arg1: i32, %arg2: memref<1x640x128xf32, #tpu.memory_space<vmem>>, %arg3: memref<1x640x128xf32, #tpu.memory_space<vmem>>, %arg4: memref<1x640x1xf32, #tpu.memory_space<vmem>>, %arg5: memref<1x1x128xf32, #tpu.memory_space<vmem>>, %arg6: memref<1x640x128xf32, #tpu.memory_space<vmem>>) attributes {dimension_semantics = [#tpu.dimension_semantics<arbitrary>, #tpu.dimension_semantics<arbitrary>], iteration_bounds = array<i64: 2, 16>, scalar_prefetch = 0 : i64, scratch_operands = 0 : i64, tpu.core_type = #tpu.core_type<tc>, window_params = [{transform_indices = @transform_0, window_bounds = array<i64: 1, 640, 128>}, {transform_indices = @transform_1, window_bounds = array<i64: 1, 640, 128>}, {transform_indices = @transform_2, window_bounds = array<i64: 1, 640, 1>}, {transform_indices = @transform_3, window_bounds = array<i64: 1, 1, 128>}, {transform_indices = @transform_4, window_bounds = array<i64: 1, 640, 128>}]} {
    %get3A = arith.constant 0 : index
    %get3A_0 = arith.constant 0 : index
    %get3A_1 = arith.constant 0 : index
    %get3A_2 = vector.load %arg4[%get3A, %get3A_0, %get3A_1] : memref<1x640x1xf32, #tpu.memory_space<vmem>>, vector<1x640x1xf32>
    %get3A_3 = vector.shape_cast %get3A_2 : vector<1x640x1xf32> to vector<640x1xf32>
    %get3A_4 = arith.constant 0 : index
    %get3A_5 = arith.constant 0 : index
    %get3A_6 = arith.constant 0 : index
    %get3A_7 = vector.load %arg2[%get3A_4, %get3A_5, %get3A_6] : memref<1x640x128xf32, #tpu.memory_space<vmem>>, vector<1x640x128xf32>
    %get3A_8 = vector.shape_cast %get3A_7 : vector<1x640x128xf32> to vector<640x128xf32>
    %get3A_9 = arith.constant 0 : index
    %get3A_10 = arith.constant 0 : index
    %get3A_11 = arith.constant 0 : index
    %get3A_12 = vector.load %arg3[%get3A_9, %get3A_10, %get3A_11] : memref<1x640x128xf32, #tpu.memory_space<vmem>>, vector<1x640x128xf32>
    %get3A_13 = vector.shape_cast %get3A_12 : vector<1x640x128xf32> to vector<640x128xf32>
    %add3A = arith.addf %get3A_8, %get3A_13 : vector<640x128xf32>
    %mul3A = vector.broadcast %get3A_3 : vector<640x1xf32> to vector<640x128xf32>
    %mul3A_14 = arith.mulf %mul3A, %add3A : vector<640x128xf32>
    %get3A_15 = arith.constant 0 : index
    %get3A_16 = arith.constant 0 : index
    %get3A_17 = arith.constant 0 : index
    %get3A_18 = vector.load %arg5[%get3A_15, %get3A_16, %get3A_17] : memref<1x1x128xf32, #tpu.memory_space<vmem>>, vector<1x1x128xf32>
    %get3A_19 = vector.shape_cast %get3A_18 : vector<1x1x128xf32> to vector<1x128xf32>
    %add3A_20 = vector.broadcast %get3A_19 : vector<1x128xf32> to vector<640x128xf32>
    %add3A_21 = arith.addf %mul3A_14, %add3A_20 : vector<640x128xf32>
    %gt3A = arith.constant 0.000000e+00 : f32
    %gt3A_22 = vector.broadcast %gt3A : f32 to vector<640x128xf32>
    %gt3A_23 = arith.cmpf ogt, %add3A_21, %gt3A_22 : vector<640x128xf32>
    %exp3A = math.exp %add3A_21 : vector<640x128xf32>
    %sub3A = arith.constant 1.000000e+00 : f32
    %sub3A_24 = vector.broadcast %sub3A : f32 to vector<640x128xf32>
    %sub3A_25 = arith.subf %exp3A, %sub3A_24 : vector<640x128xf32>
    %select_n3A = arith.select %gt3A_23, %add3A_21, %sub3A_25 : vector<640x128xi1>, vector<640x128xf32>
    %swap3A = arith.constant 0 : index
    %swap3A_26 = arith.constant 0 : index
    %swap3A_27 = arith.constant 0 : index
    %swap3A_28 = vector.load %arg6[%swap3A, %swap3A_26, %swap3A_27] : memref<1x640x128xf32, #tpu.memory_space<vmem>>, vector<1x640x128xf32>
    %swap3A_29 = vector.shape_cast %swap3A_28 : vector<1x640x128xf32> to vector<640x128xf32>
    %swap3A_30 = vector.shape_cast %select_n3A : vector<640x128xf32> to vector<1x640x128xf32>
    tpu.vector_store %arg6[%swap3A, %swap3A_26, %swap3A_27], %swap3A_30 {strides = array<i32>} : memref<1x640x128xf32, #tpu.memory_space<vmem>>, vector<1x640x128xf32>,
    return
  }
  func.func @transform_0(%arg0: i32, %arg1: i32) -> (i32, i32, i32) {
    %c0_i32 = arith.constant 0 : i32
    %c0_i32_0 = arith.constant 0 : i32
    return %arg0, %arg1, %c0_i32 : i32, i32, i32
  }
  func.func @transform_1(%arg0: i32, %arg1: i32) -> (i32, i32, i32) {
    %c0_i32 = arith.constant 0 : i32
    %c0_i32_0 = arith.constant 0 : i32
    return %arg0, %arg1, %c0_i32 : i32, i32, i32
  }
  func.func @transform_2(%arg0: i32, %arg1: i32) -> (i32, i32, i32) {
    %c0_i32 = arith.constant 0 : i32
    %c0_i32_0 = arith.constant 0 : i32
    return %arg0, %arg1, %c0_i32 : i32, i32, i32
  }
  func.func @transform_3(%arg0: i32, %arg1: i32) -> (i32, i32, i32) {
    %c0_i32 = arith.constant 0 : i32
    %c0_i32_0 = arith.constant 0 : i32
    %c0_i32_1 = arith.constant 0 : i32
    return %arg0, %c0_i32, %c0_i32_0 : i32, i32, i32
  }
  func.func @transform_4(%arg0: i32, %arg1: i32) -> (i32, i32, i32) {
    %c0_i32 = arith.constant 0 : i32
    %c0_i32_0 = arith.constant 0 : i32
    return %arg0, %arg1, %c0_i32 : i32, i32, i32
  }
}

module attributes {stable_mosaic.version = 14 : i64} {
  func.func @_tc_fc_body(%arg0: memref<2x128x128xf32, #tpu.memory_space<vmem>>, %arg1: memref<256x128xf32, #tpu.memory_space<vmem>>, %arg2: memref<128xf32, #tpu.memory_space<vmem>>, %arg3: memref<128x128xf32, #tpu.memory_space<vmem>>) attributes {dimension_semantics = [], scalar_prefetch = 0 : i64, scratch_operands = 0 : i64, tpu.core_type = #tpu.core_type<tc>} {
    %get3A = arith.constant 0 : index
    %get3A_0 = arith.constant 0 : index
    %get3A_1 = arith.constant 0 : index
    %get3A_2 = vector.load %arg0[%get3A, %get3A_0, %get3A_1] : memref<2x128x128xf32, #tpu.memory_space<vmem>>, vector<1x128x128xf32>
    %get3A_3 = vector.shape_cast %get3A_2 : vector<1x128x128xf32> to vector<128x128xf32>
    %get3A_4 = arith.constant 1 : index
    %get3A_5 = arith.constant 0 : index
    %get3A_6 = arith.constant 0 : index
    %get3A_7 = vector.load %arg0[%get3A_4, %get3A_5, %get3A_6] : memref<2x128x128xf32, #tpu.memory_space<vmem>>, vector<1x128x128xf32>
    %get3A_8 = vector.shape_cast %get3A_7 : vector<1x128x128xf32> to vector<128x128xf32>
    %concatenate3A = tpu.concatenate %get3A_3, %get3A_8 in 1 : vector<128x128xf32>, vector<128x128xf32> -> vector<128x256xf32>
    %get3A_9 = arith.constant 0 : index
    %get3A_10 = arith.constant 0 : index
    %get3A_11 = vector.load %arg1[%get3A_9, %get3A_10] : memref<256x128xf32, #tpu.memory_space<vmem>>, vector<256x128xf32>
    %dot_general3A = arith.constant dense<0.000000e+00> : vector<128x128xf32>
    %dot_general3A_12 = tpu.matmul %concatenate3A, %get3A_11, %dot_general3A {dimension_numbers = #tpu.dot_dimension_numbers<[1], [0], [0], [1], [0, 0, 1, 1], [], []>, transpose_lhs_hint = false} : vector<128x256xf32>, vector<256x128xf32>, vector<128x128xf32> -> vector<128x128xf32>
    %get3A_13 = arith.constant 0 : index
    %get3A_14 = vector.load %arg2[%get3A_13] : memref<128xf32, #tpu.memory_space<vmem>>, vector<128xf32>
    %broadcast_in_dim3A = vector.shape_cast %get3A_14 : vector<128xf32> to vector<1x128xf32>
    %add3A = vector.broadcast %broadcast_in_dim3A : vector<1x128xf32> to vector<128x128xf32>
    %add3A_15 = arith.addf %dot_general3A_12, %add3A : vector<128x128xf32>
    %reduce_max3A = arith.constant dense<0xFF800000> : vector<128xf32>
    %reduce_max3A_16 = vector.multi_reduction <maximumf>, %add3A_15, %reduce_max3A [1] : vector<128x128xf32> to vector<128xf32>
    %broadcast_in_dim3A_17 = vector.shape_cast %reduce_max3A_16 : vector<128xf32> to vector<128x1xf32>
    %sub3A = vector.broadcast %broadcast_in_dim3A_17 : vector<128x1xf32> to vector<128x128xf32>
    %sub3A_18 = arith.subf %add3A_15, %sub3A : vector<128x128xf32>
    %exp3A = math.exp %sub3A_18 : vector<128x128xf32>
    %reduce_sum3A = arith.constant dense<0.000000e+00> : vector<128xf32>
    %reduce_sum3A_19 = vector.multi_reduction <add>, %exp3A, %reduce_sum3A [1] : vector<128x128xf32> to vector<128xf32>
    %broadcast_in_dim3A_20 = vector.shape_cast %reduce_sum3A_19 : vector<128xf32> to vector<128x1xf32>
    %log3A = math.log %broadcast_in_dim3A_20 : vector<128x1xf32>
    %add3A_21 = arith.addf %log3A, %broadcast_in_dim3A_17 : vector<128x1xf32>
    %sub3A_22 = vector.broadcast %add3A_21 : vector<128x1xf32> to vector<128x128xf32>
    %sub3A_23 = arith.subf %add3A_15, %sub3A_22 : vector<128x128xf32>
    %swap3A = arith.constant 0 : index
    %swap3A_24 = arith.constant 0 : index
    %swap3A_25 = vector.load %arg3[%swap3A, %swap3A_24] : memref<128x128xf32, #tpu.memory_space<vmem>>, vector<128x128xf32>
    tpu.vector_store %arg3[%swap3A, %swap3A_24], %sub3A_23 {strides = array<i32>} : memref<128x128xf32, #tpu.memory_space<vmem>>, vector<128x128xf32>,
    return
  }
}

</mosaic_0001>

<sc_bundles>
// kernel: kernel.10.cloned.1.call-start
scs
__scs_entry_jumppad:
0x0: {  	(pc) =	sbr.rel $0x88, $3  }
0x1: {  	(tag) =	ssettag $0x0;
	lr =	simm.s32 $0x1  }
0x2: {  	[smem:$0x3F93] =	sst lr;
	_ =	strace $0xD0000000  }
0x3: {  	_ = 	snop  }
0x4: {  	_ = 	snop  }
0x5: {  	_ = 	snop  }
0x6: {  	_ = 	snop  }
0x7: {  	_ = 	snop  }
__scs_overlays_trampoline_lowered:
0x8: {  	[smem:$0x3FA2] =	sst s0  }
0x9: {  	[smem:$0x3FA3] =	sst s1  }
0xa: {  	[smem:$0x3FA4] =	sst s2  }
0xb: {  	[smem:$0x3FA5] =	sst s3  }
0xc: {  	[smem:$0x3FA6] =	sst s4  }
0xd: {  	[smem:$0x3FA7] =	sst s5  }
0xe: {  	[smem:$0x3FA8] =	sst s6  }
0xf: {  	[smem:$0x3FA9] =	sst s7  }
0x10: {  	[smem:$0x3FAA] =	sst s8  }
0x11: {  	[smem:$0x3FAB] =	sst s9;
	s0 =	simm.s32 @!p0 $0x0  }
0x12: {  	s1 =	sld [smem:$0x3F91];
	s0 =	simm.s32 @p0 $0x1  }
0x13: {  	[smem:$0x3FAC] =	sst s0;
	s0 =	simm.s32 @!p1 $0x0  }
0x14: {  	s2 =	sld [smem:$0x3F90];
	s0 =	simm.s32 @p1 $0x1  }
0x15: {  	[smem:$0x3FAD] =	sst s0;
	s0 =	simm.s32 @!p2 $0x0  }
0x16: {  	s3 =	sld [smem:$0x3FDB];
	s0 =	simm.s32 @p2 $0x1  }
0x17: {  	s4 =	simm.s32 $0x1BF5;
	[smem:$0x3FAF] =	sst s0  }
0x18: {  	s0 =	sld [smem:$0x3F92];
	_ =	swait.ge [sflag:s4], $0x0  }
0x19: {  	s7 =	sld [smem:$0x3F93]  }
0x1a: {  	s8 =	sadd.s32 $0xFFFFE003, lr  }
0x1b: {  	s9 =	sadd.s32 $0xFFFFFEF7, lr;
	s5 =	simm.s32 $0xFFFFFFFF;
	p2 =	slt.u32 s8, $0xFFFFF086  }
0x1c: {  	p1 =	slt.u32 s9, $0xF7A;
	s5 =	simm.s32 @!p2 $0x0  }
0x1d: {  	s5 =	simm.s32 @p1 $0x1;
	p0 =	seq.s32 s7, s2  }
0x1e: {  	s7 =	smul.u32 @!p0 $0xF7A, s2;
	p2 =	seq.s32 @!p0 s5, $0x0  }
0x1f: {  	s9 =	smul.u32 $0xF7A, s1;
	s8 =	simm.s32 @!p0 $0x1BF5;
	p2 =	por !p2, p0  }
0x20: {  	[sflag:s8] =	ssyncset.s32 @!p0 $0xFFFFF086;
	s6 =	sadd.s32 @!p0 s3, s7;
	s7 =	simm.s32 @!p0 $0x108  }
0x21: {  	s3 =	sadd.s32 s3, s9;
	s6 =	sadd.s32 @!p0 $0x88, s6;
	s7 =	simm.s32 @p2 $0x1082  }
0x22: {  	[simem:s7], [sflag:s8] =	dma.local @!p0 [hbm:s6], $0xF7A  }
0x23: {  	s9 =	sor.u32 $0xD0000000, s2;
	s6 =	simm.s32 $0x108;
	_ =	swait.ge @!p0 [sflag:s8], $0x0  }
0x24: {  	s3 =	sadd.s32 $0x88, s3;
	s6 =	simm.s32 @!p1 $0x1082;
	[sflag:s4] =	ssyncset.s32 $0xFFFFF086  }
0x25: {  	[simem:s6], [sflag:s4] =	dma.local [hbm:s3], $0xF7A  }
0x26: {  	[smem:$0x3F93] =	sst s1;
	(tag) =	ssettag s2;
	_ =	strace s9  }
0x27: {  	s1 =	sld [smem:$0x3FA3]  }
0x28: {  	s2 =	sld [smem:$0x3FA4]  }
0x29: {  	s4 =	sld [smem:$0x3FA6]  }
0x2a: {  	p0 =	seq.s32 s5, $0x0;
	s5 =	sld [smem:$0x3FA7]  }
0x2b: {  	s6 =	sld [smem:$0x3FA8]  }
0x2c: {  	s7 =	sld [smem:$0x3FA9]  }
0x2d: {  	s3 =	simm.s32 $0x108;
	s8 =	sld [smem:$0x3FAA]  }
0x2e: {  	s3 =	simm.s32 @!p0 $0x1082;
	s9 =	sld [smem:$0x3FAB]  }
0x2f: {  	lr =	sadd.s32 s0, s3;
	s0 =	sld [smem:$0x3FA2]  }
0x30: {  	s3 =	sld [smem:$0x3FA5]  }
0x31: {  	[smem:$0x3FAE] =	sst s10  }
0x32: {  	s10 =	sld [smem:$0x3FAC];
	_ =	sdelay $0x3  }
0x33: {  	p0 =	seq.s32 s10, $0x1;
	s10 =	sld [smem:$0x3FAE];
	_ =	sdelay $0x3  }
0x34: {  	[smem:$0x3FAE] =	sst s10  }
0x35: {  	s10 =	sld [smem:$0x3FAD];
	_ =	sdelay $0x3  }
0x36: {  	p1 =	seq.s32 s10, $0x1;
	s10 =	sld [smem:$0x3FAE];
	_ =	sdelay $0x3  }
0x37: {  	[smem:$0x3FAE] =	sst s10  }
0x38: {  	s10 =	sld [smem:$0x3FAF]  }
0x39: {  	_ = 	snop;
	(pc) =	sbr.ind lr, $3  }
0x3a: {  	_ = 	snop  }
0x3b: {  	_ = 	snop  }
0x3c: {  	p2 =	seq.s32 s10, $0x1;
	s10 =	sld [smem:$0x3FAE]  }
0x3d: {  	_ =	shalt  }
0x3e: {  	_ =	shalt  }
0x3f: {  	_ =	shalt  }
0x40: {  	_ =	shalt  }
0x41: {  	_ =	shalt  }
0x42: {  	_ =	shalt  }
0x43: {  	_ =	shalt  }
0x44: {  	_ =	shalt  }
0x45: {  	_ =	shalt  }
0x46: {  	_ =	shalt  }
0x47: {  	_ =	shalt  }
0x48: {  	_ =	shalt  }
0x49: {  	_ =	shalt  }
0x4a: {  	_ =	shalt  }
0x4b: {  	_ =	shalt  }
0x4c: {  	_ =	shalt  }
0x4d: {  	_ =	shalt  }
0x4e: {  	_ =	shalt  }
0x4f: {  	_ =	shalt  }
0x50: {  	_ =	shalt  }
0x51: {  	_ =	shalt  }
0x52: {  	_ =	shalt  }
0x53: {  	_ =	shalt  }
0x54: {  	_ =	shalt  }
0x55: {  	_ =	shalt  }
0x56: {  	_ =	shalt  }
0x57: {  	_ =	shalt  }
0x58: {  	_ =	shalt  }
0x59: {  	_ =	shalt  }
0x5a: {  	_ =	shalt  }
0x5b: {  	_ =	shalt  }
0x5c: {  	_ =	shalt  }
0x5d: {  	_ =	shalt  }
0x5e: {  	_ =	shalt  }
0x5f: {  	_ =	shalt  }
0x60: {  	_ =	shalt  }
0x61: {  	_ =	shalt  }
0x62: {  	_ =	shalt  }
0x63: {  	_ =	shalt  }
0x64: {  	_ =	shalt  }
0x65: {  	_ =	shalt  }
0x66: {  	_ =	shalt  }
0x67: {  	_ =	shalt  }
0x68: {  	_ =	shalt  }
0x69: {  	_ =	shalt  }
0x6a: {  	_ =	shalt  }
0x6b: {  	_ =	shalt  }
0x6c: {  	_ =	shalt  }
0x6d: {  	_ =	shalt  }
0x6e: {  	_ =	shalt  }
0x6f: {  	_ =	shalt  }
0x70: {  	_ =	shalt  }
0x71: {  	_ =	shalt  }
0x72: {  	_ =	shalt  }
0x73: {  	_ =	shalt  }
0x74: {  	_ =	shalt  }
0x75: {  	_ =	shalt  }
0x76: {  	_ =	shalt  }
0x77: {  	_ =	shalt  }
0x78: {  	_ =	shalt  }
0x79: {  	_ =	shalt  }
0x7a: {  	_ =	shalt  }
0x7b: {  	_ =	shalt  }
0x7c: {  	_ =	shalt  }
0x7d: {  	_ =	shalt  }
0x7e: {  	_ =	shalt  }
0x7f: {  	_ =	shalt  }
0x80: {  	_ =	shalt  }
0x81: {  	_ =	shalt  }
0x82: {  	_ =	shalt  }
0x83: {  	_ =	shalt  }
0x84: {  	_ =	shalt  }
0x85: {  	_ =	shalt  }
0x86: {  	_ =	shalt  }
0x87: {  	_ =	shalt  }
.Lfunc_end0:
.L_simem_size_0:
called_computation_lowered:
.L_overlay_start_0:
0x88: {  	s2 =	sld [smem:$0x3FD9]  }
0x89: {  	s3 =	sld [smem:$0x3FFE];
	_ =	sdelay $0x1  }
0x8a: {  	s1 =	srdreg.scid  }
0x8b: {  	s0 =	sand.u32 $0x1, s1  }
0x8c: {  	s16 =	sshll.u32 s0, $0xA;
	s2 =	sadd.s32 s3, s2  }
0x8d: {  	s2 =	sadd.s32 s2, s16  }
0x8e: {  	[smem:$0x3FBA] =	sst s2  }
0x8f: {  	_ = 	snop  }
0x90: {  	(tm) =	ssettm $0x1  }
0x91: {  	s17 =	sld [smem:$0x3FFB];
	_ =	sdelay $0x3  }
0x92: {  	_ =	strace s17  }
0x93: {  	s2 =	sld [smem:$0x3FFC];
	_ =	sdelay $0x3  }
0x94: {  	_ =	strace s2  }
0x95: {  	s2 =	sld [smem:$0x3FFD];
	_ =	sdelay $0x3  }
0x96: {  	_ =	strace s2  }
0x97: {  	_ =	strace $0x8FFFFFFF  }
0x98: {  	s18 =	sld [smem:$0x3FDB];
	_ =	sdelay $0x1  }
0x99: {  	s19 =	simm.s32 $_scs_section_size  }
0x9a: {  	s4 =	simm.s32 $_size__tile_overlayer_lowered;
	s5 =	simm.s32 $_tile_overlayer_lowered  }
0x9b: {  	s22 =	simm.s32 $0x1BFF;
	s21 =	sshll.u32 s5, $0x1;
	s2 =	sadd.s32 s19, s18  }
0x9c: {  	s6 =	simm.s32 $0x0;
	s20 =	sshll.u32 s4, $0x1;
	s4 =	sadd.s32 s21, s2  }
0x9d: {  	[timem:s6], [sflag:s22] =	dma.local [hbm:s4], s20  }
0x9e: {  	_ =	swait.ge [sflag:s22], s20  }
0x9f: {  	s3 =	ssub.s32 $0x0, s20;
	[sflag:s22] =	ssyncset.done $0x0  }
0xa0: {  	[sflag:s22] =	ssyncadd.s32 s3;
	_ =	sdelay $0x1  }
0xa1: {  	s23 =	simm.s32 $0x1B8B  }
0xa2: {  	_ =	swait.ge [sflag:s23], $0x1  }
0xa3: {  	[sflag:s23] =	ssyncset.done $0x0  }
0xa4: {  	s25 =	simm.s32 $0x1B8E;
	s24 =	sld [smem:$0x3FFE];
	[sflag:s23] =	ssyncadd.s32 $0xFFFFFFFF  }
0xa5: {  	s26 =	simm.s32 $execute0_lowered;
	[smem:$0x3FD2] =	sst s25  }
0xa6: {  	s4 =	sshll.u32 s26, $0x1;
	_ =	strace $0x80000046;
	[dreg:$0x1] =	wrdreg $0xFFFFFFFF  }
0xa7: {  	s28 =	simm.s32 $_size_execute0_lowered;
	s2 =	sadd.s32 s2, s4;
	[dreg:$0x0] =	wrdreg $0x0  }
0xa8: {  	s4 =	sshll.u32 s28, $0x1;
	[dreg:$0x2] =	wrdreg s2  }
0xa9: {  	[dreg:$0x3] =	wrdreg s4  }
0xaa: {  	[dreg:$0x4] =	wrdreg $0xC0  }
0xab: {  	_ =	task [dreg:s6], $0x5FFFF  }
0xac: {  	[dreg:$0x1] =	wrdreg $0xFFFFFFFF  }
0xad: {  	[dreg:$0x0] =	wrdreg $0x60  }
0xae: {  	[dreg:$0x2] =	wrdreg s24  }
0xaf: {  	[dreg:$0x3] =	wrdreg $0x0  }
0xb0: {  	[dreg:$0x4] =	wrdreg $0x9  }
0xb1: {  	_ =	task.clear_ibuf [dreg:s6], $0x5FFFF;
	_ =	strace $0x90000046  }
0xb2: {  	s29 =	simm.s32 $0x9;
	_ =	strace $0x80000048  }
0xb3: {  	_ =	swait.ge [sflag:s29], $0x1  }
0xb4: {  	[sflag:s29] =	ssyncadd.s32 $0xFFFFFFFF  }
0xb5: {  	_ =	strace $0x90000048  }
0xb6: {  	_ =	sfence  }
0xb7: {  	s30 =	sld [smem:$0x0];
	_ =	sdelay $0x2  }
0xb8: {  	s31 =	sshll.u32 s1, $0xD;
	s1 =	sshrl.u32 s1, $0x2  }
0xb9: {  	s3 =	sand.u32 $0x4000, s31;
	s1 =	sadd.s32 s1, s30  }
0xba: {  	s0 =	sor.u32 s3, s0;
	s1 =	sshll.u32 s1, $0x11  }
0xbb: {  	s0 =	sor.u32 s1, s0  }
0xbc: {  	s0 =	sadd.s32 $0x8F2B, s0  }
0xbd: {  	[sflag:s0] =	ssyncadd.remote.s32 $0x1  }
0xbe: {  	_ =	sfence.sel $0xFFFF  }
0xbf: {  	[dreg:$0x0] =	wrdreg $0xFFFFFFFF;
	(pc) =	sbr.abs _section_cstart, $3  }
0xc0: {  	[dreg:$0x1] =	wrdreg $0xFFFFFFFF  }
0xc1: {  	_ =	task.clear_ibuf [dreg:s6], $0x2FFFF;
	_ =	strace $0x9FFFFFFF  }
0xc2: {  	(tm) =	ssettm $0x7FFFFFFF  }
0xc3: {  	_ =	shalt  }
tec
execute0_lowered:
.L_overlay_start_1:
0x0: {  	(tag) =	ssettag $0x1  }
0x1: {  	s4 =	rddreg [dreg:$0x0]  }
0x2: {  	s2 =	rddreg [dreg:$0x1]  }
0x3: {  	s0 =	rddreg [dreg:$0x2]  }
0x4: {  	s3 =	simm.s32 $0x0;
	s5 =	srdreg.scid;
	s1 =	stileid.u32  }
0x5: {  	s12 =	simm.s32 $0x2900;
	s13 =	simm.s32 $0x2A00;
	s14 =	simm.s32 $0x2880  }
0x6: {  	s15 =	simm.s32 $0x2980;
	[smem:$0x7FF] =	sst s3;
	s16 =	smul.u32 $0x2800, s1  }
0x7: {  	s5 =	sand.u32 $0x1, s5;
	s8 =	smul.u32 $0x50000, s1;
	s30 =	sshll.u32 s1, $0x6  }
0x8: {  	s11 =	smul.u32 $0x13C0, s1;
	_ =	strace $0x80000047;
	s6 =	sshll.u32 s5, $0x4  }
0x9: {  	s7 =	smul.u32 $0x28000, s5;
	s5 =	ssub.s32 $0x2, s5;
	s6 =	sadd.s32 s6, s4  }
0xa: {  	s9 =	sadd.s32 s16, s4;
	s28 =	sshrl.u32 s5, $0x1;
	s29 =	sshrl.u32 s8, $0x2  }
0xb: {  	s7 =	sadd.s32 s7, s4;
	s10 =	ssub.s32 s5, s28;
	s8 =	sadd.s32 s29, s2  }
0xc: {  	s4 =	sadd.s32 $0x17A00, s9;
	s5 =	sor.u32 $0x1C01, s30;
	s31 =	sadd.s32 $0x3E00, s6  }
0xd: {  	s17 =	sadd.s32 $0x3FA00, s7;
	s6 =	smax.u32 s10, $0x1;
	s7 =	sshrl.u32 s8, $0x3  }
0xe: {  	s8 =	simm.s32 $0x1;
	s9 =	sadd.s32 s31, s11;
	s10 =	simm.s32 $0x2800  }
0xf: {  	v0 =	vimm.f32 $1.000000000e+00;
	s11 =	simm.s32 $0x80;
	s16 =	sadd.s32 s16, s17;
	s17 =	simm.s32 $0x0  }
.LBB2_1:
0x10: {  	[spmem:s7], [sflag:s5] =	dma.local [hbm:s4], $0x2800  }
0x11: {  	_ =	swait.ge [sflag:s8], $0x2800  }
0x12: {  	[sflag:s8] =	ssyncset.done $0x0  }
0x13: {  	s18 =	simm.s32 $0x200;
	s19 =	simm.s32 $0x0;
	[sflag:s8] =	ssyncadd.s32 $0xFFFFD800  }
.LBB2_2:
0x14: {  	p0 =	sne.s32 s18, $0xFE00;
	[tilespmem:s19+$0x2A00] =	vst v0;
	s19 =	smov.u32 s18;
	s18 =	sadd.s32 $0x200, s18  }
.Ltmp0:
0x15: {  	(pc) =	sbr.rel @p0 .LBB2_2-.Ltmp0, $2  }
0x16: {  	_ =	sdelay $0x2  }
0x17: {  	s19 =	sshra.s32 s19, $0x2  }
0x18: {  	[tilespmem:s19+$0x2A00] =	vst v0  }
0x19: {  	s18 =	sadd.s32 $0x0, s9;
	[bflag:$0x0] =	sbarrier.arrive $0xFFFF  }
0x1a: {  	[tilespmem:s10], [sflag:$0x1] =	stream.linear.gather [hbm4b:s18+s3], $0x80, $0x38;
	[tilespmem:$0x6A00] =	vst v63  }
0x1b: {  	_ =	swait.ge [sflag:s8], $0x80  }
0x1c: {  	[sflag:s8] =	ssyncset.done $0x0  }
0x1d: {  	[sflag:s8] =	ssyncadd.s32 $0xFFFFFF80  }
0x1e: {  	v1 =	vld [tilespmem:$0x2870]  }
0x1f: {  	v2 =	vld [tilespmem:$0x2850]  }
0x20: {  	v3 =	vld [tilespmem:$0x2860]  }
0x21: {  	v4 =	vld [tilespmem:$0x2830]  }
0x22: {  	v5 =	vld [tilespmem:$0x2840]  }
0x23: {  	v6 =	vld [tilespmem:$0x2800];
	[tilespmem:$0x2970] =	vst v1  }
0x24: {  	v1 =	vld [tilespmem:$0x2820];
	[tilespmem:$0x2950] =	vst v2  }
0x25: {  	v2 =	vld [tilespmem:$0x2810];
	[tilespmem:$0x2960] =	vst v3  }
0x26: {  	[tilespmem:$0x2930] =	vst v4  }
0x27: {  	[tilespmem:$0x2940] =	vst v5  }
0x28: {  	[tilespmem:$0x2900] =	vst v6  }
0x29: {  	[tilespmem:$0x2920] =	vst v1  }
0x2a: {  	[tilespmem:$0x2910] =	vst v2  }
0x2b: {  	[spmem:s2] =	stream.indirect.scatter.add.f32 [tilespmem:s13], [sflag:$0x1], $0x10, s12, s11, $0xb8;
	[tilespmem:$0x6A00] =	vst v63  }
0x2c: {  	_ =	swait.ge [sflag:s8], $0x800  }
0x2d: {  	[sflag:s8] =	ssyncset.done $0x0  }
0x2e: {  	s18 =	sadd.s32 $0x20, s18;
	[sflag:s8] =	ssyncadd.s32 $0xFFFFF800  }
0x2f: {  	[tilespmem:s14], [sflag:$0x1] =	stream.linear.gather [hbm4b:s18+s3], $0x80, $0x38;
	[tilespmem:$0x6A00] =	vst v63  }
0x30: {  	_ =	swait.ge [sflag:s8], $0x80  }
0x31: {  	[sflag:s8] =	ssyncset.done $0x0  }
0x32: {  	[sflag:s8] =	ssyncadd.s32 $0xFFFFFF80  }
0x33: {  	v2 =	vld [tilespmem:$0x2880]  }
0x34: {  	s18 =	simm.s32 $0x40;
	v1 =	vld [tilespmem:$0x28D0]  }
.LBB2_4:
0x35: {  	p0 =	sne.s32 s18, $0x1380;
	v3 =	vld [tilespmem:$0x28F0];
	s19 =	smov.u32 s18;
	s18 =	sadd.s32 $0x40, s18  }
0x36: {  	v4 =	vld [tilespmem:$0x28E0]  }
0x37: {  	v5 =	vld [tilespmem:$0x2890]  }
0x38: {  	[tilespmem:$0x2980] =	vst v2;
	v2 =	vld [tilespmem:$0x28C0]  }
0x39: {  	v6 =	vld [tilespmem:$0x28A0];
	[tilespmem:$0x29D0] =	vst v1  }
0x3a: {  	v1 =	vld [tilespmem:$0x28B0];
	[tilespmem:$0x29F0] =	vst v3  }
0x3b: {  	[tilespmem:$0x29E0] =	vst v4  }
0x3c: {  	[tilespmem:$0x2990] =	vst v5  }
0x3d: {  	[tilespmem:$0x29C0] =	vst v2  }
0x3e: {  	[tilespmem:$0x29A0] =	vst v6  }
0x3f: {  	[tilespmem:$0x29B0] =	vst v1  }
0x40: {  	[spmem:s2] =	stream.indirect.scatter.add.f32 [tilespmem:s13], [sflag:$0x1], $0x10, s15, s11, $0xb8;
	[tilespmem:$0x6A00] =	vst v63  }
0x41: {  	_ =	swait.ge [sflag:s8], $0x800  }
0x42: {  	[sflag:s8] =	ssyncset.done $0x0  }
0x43: {  	s19 =	sadd.s32 s19, s9;
	[sflag:s8] =	ssyncadd.s32 $0xFFFFF800  }
0x44: {  	[tilespmem:s10], [sflag:$0x1] =	stream.linear.gather [hbm4b:s19+s3], $0x80, $0x38;
	[tilespmem:$0x6A00] =	vst v63  }
0x45: {  	_ =	swait.ge [sflag:s8], $0x80  }
0x46: {  	[sflag:s8] =	ssyncset.done $0x0  }
0x47: {  	[sflag:s8] =	ssyncadd.s32 $0xFFFFFF80  }
0x48: {  	v1 =	vld [tilespmem:$0x2870]  }
0x49: {  	v2 =	vld [tilespmem:$0x2850]  }
0x4a: {  	v3 =	vld [tilespmem:$0x2860]  }
0x4b: {  	v4 =	vld [tilespmem:$0x2830]  }
0x4c: {  	v5 =	vld [tilespmem:$0x2840]  }
0x4d: {  	v6 =	vld [tilespmem:$0x2800];
	[tilespmem:$0x2970] =	vst v1  }
0x4e: {  	v1 =	vld [tilespmem:$0x2820];
	[tilespmem:$0x2950] =	vst v2  }
0x4f: {  	v2 =	vld [tilespmem:$0x2810];
	[tilespmem:$0x2960] =	vst v3  }
0x50: {  	[tilespmem:$0x2930] =	vst v4  }
0x51: {  	[tilespmem:$0x2940] =	vst v5  }
0x52: {  	[tilespmem:$0x2900] =	vst v6  }
0x53: {  	[tilespmem:$0x2920] =	vst v1  }
0x54: {  	[tilespmem:$0x2910] =	vst v2  }
0x55: {  	[spmem:s2] =	stream.indirect.scatter.add.f32 [tilespmem:s13], [sflag:$0x1], $0x10, s12, s11, $0xb8;
	[tilespmem:$0x6A00] =	vst v63  }
0x56: {  	_ =	swait.ge [sflag:s8], $0x800  }
0x57: {  	[sflag:s8] =	ssyncset.done $0x0  }
0x58: {  	s19 =	sadd.s32 $0x20, s19;
	[sflag:s8] =	ssyncadd.s32 $0xFFFFF800  }
0x59: {  	[tilespmem:s14], [sflag:$0x1] =	stream.linear.gather [hbm4b:s19+s3], $0x80, $0x38;
	[tilespmem:$0x6A00] =	vst v63  }
.Ltmp1:
0x5a: {  	_ =	swait.ge [sflag:s8], $0x80;
	(pc) =	sbr.rel @p0 .LBB2_4-.Ltmp1, $4  }
0x5b: {  	[sflag:s8] =	ssyncset.done $0x0  }
0x5c: {  	[sflag:s8] =	ssyncadd.s32 $0xFFFFFF80  }
0x5d: {  	v2 =	vld [tilespmem:$0x2880]  }
0x5e: {  	v1 =	vld [tilespmem:$0x28D0]  }
0x5f: {  	v3 =	vld [tilespmem:$0x28F0]  }
0x60: {  	v4 =	vld [tilespmem:$0x28E0]  }
0x61: {  	v5 =	vld [tilespmem:$0x2890]  }
0x62: {  	v6 =	vld [tilespmem:$0x28A0];
	[tilespmem:$0x2980] =	vst v2  }
0x63: {  	v2 =	vld [tilespmem:$0x28C0];
	[tilespmem:$0x29D0] =	vst v1  }
0x64: {  	v1 =	vld [tilespmem:$0x28B0];
	[tilespmem:$0x29F0] =	vst v3  }
0x65: {  	[tilespmem:$0x29E0] =	vst v4  }
0x66: {  	[tilespmem:$0x2990] =	vst v5  }
0x67: {  	[tilespmem:$0x29A0] =	vst v6  }
0x68: {  	[tilespmem:$0x29C0] =	vst v2  }
0x69: {  	[tilespmem:$0x29B0] =	vst v1  }
0x6a: {  	[spmem:s2] =	stream.indirect.scatter.add.f32 [tilespmem:s13], [sflag:$0x1], $0x10, s15, s11, $0xb8;
	[tilespmem:$0x6A00] =	vst v63  }
0x6b: {  	_ =	swait.ge [sflag:s8], $0x800  }
0x6c: {  	[sflag:s8] =	ssyncset.done $0x0  }
0x6d: {  	[sflag:s8] =	ssyncadd.s32 $0xFFFFF800  }
0x6e: {  	[bflag:$0x0] =	sbarrier.arrive $0xFFFF  }
0x6f: {  	_ =	sdelay $0x7ff  }
0x70: {  	_ =	sdelay $0x7ff  }
0x71: {  	_ =	sdelay $0x7ff  }
0x72: {  	_ =	sdelay $0x7ff  }
0x73: {  	_ =	sdelay $0x7ff  }
0x74: {  	_ =	sdelay $0x7ff  }
0x75: {  	_ =	sdelay $0x7ff  }
0x76: {  	_ =	sdelay $0x7ff  }
0x77: {  	_ =	sdelay $0x7ff  }
0x78: {  	_ =	sdelay $0x7ff  }
0x79: {  	_ =	sdelay $0x7ff  }
0x7a: {  	_ =	sdelay $0x7ff  }
0x7b: {  	_ =	sdelay $0x7ff  }
0x7c: {  	_ =	sdelay $0x7ff  }
0x7d: {  	_ =	sdelay $0x7ff  }
0x7e: {  	_ =	sdelay $0x7ff  }
0x7f: {  	_ =	sdelay $0x7ff  }
0x80: {  	s17 =	sadd.s32 $0x1, s17;
	_ =	sdelay $0x7ff  }
0x81: {  	p0 =	sne.s32 s17, s6;
	_ =	sdelay $0xc9  }
.Ltmp2:
0x82: {  	[bflag:$0x0] =	sbarrier.arrive $0xFFFF;
	(pc) =	sbr.rel @p0 .LBB2_1-.Ltmp2, $4  }
0x83: {  	[hbm:s16], [sflag:s5] =	dma.local [spmem:s7], $0x2800  }
0x84: {  	_ =	swait.ge [sflag:s8], $0x2800  }
0x85: {  	[sflag:s8] =	ssyncset.done $0x0  }
0x86: {  	[sflag:s8] =	ssyncadd.s32 $0xFFFFD800  }
0x87: {  	_ =	sfence.sel $0x180000  }
0x88: {  	[bflag:$0x0] =	sbarrier.arrive $0xFFFF  }
0x89: {  	p0 =	sne.s32 s1, $0x0;
	_ =	strace $0x90000047  }
0x8a: {  	s0 =	sadd.s32 @!p0 $0x100000, s0;
	[bflag:$0x2] =	sbarrier.arrive $0xFFFF  }
0x8b: {  	[sflag:s0] =	ssyncadd.tile.s32 @!p0 $0x1;
	_ =	shalt  }
.Lfunc_end2:
_tile_overlayer_lowered:
.L_overlay_start_2:
0x8c: {  	(tag) =	ssettag $0x2  }
0x8d: {  	s0 =	rddreg [dreg:$0x0];
	s2 =	stileid.u32  }
0x8e: {  	s1 =	rddreg [dreg:$0x1];
	p0 =	sne.s32 s2, $0x0  }
0x8f: {  	s3 =	rddreg [dreg:$0x2];
	[bflag:$0x3] =	sbarrier.arrive $0xFFFF;
	s2 =	simm.s32 @!p0 $0x1C01  }
0x90: {  	[timem:s3], [sflag:s2] =	dma.local @!p0 [hbm:s0], s1  }
0x91: {  	s0 =	simm.s32 @!p0 $0x1  }
0x92: {  	_ =	swait.ge @!p0 [sflag:s0], s1  }
0x93: {  	s1 =	ssub.s32 @!p0 $0x0, s1;
	[sflag:s0] =	ssyncset.done @!p0 $0x0  }
0x94: {  	[sflag:s0] =	ssyncadd.s32 @!p0 s1  }
0x95: {  	[bflag:$0x3] =	sbarrier.arrive $0xFFFF  }
0x96: {  	_ =	shalt  }

// kernel: kernel.13.cloned.1.call-start
scs
__scs_entry_jumppad:
0x0: {  	(pc) =	sbr.rel $0x88, $3  }
0x1: {  	(tag) =	ssettag $0x0;
	lr =	simm.s32 $0x1  }
0x2: {  	[smem:$0x3F93] =	sst lr;
	_ =	strace $0xD0000000  }
0x3: {  	_ = 	snop  }
0x4: {  	_ = 	snop  }
0x5: {  	_ = 	snop  }
0x6: {  	_ = 	snop  }
0x7: {  	_ = 	snop  }
__scs_overlays_trampoline_lowered:
0x8: {  	[smem:$0x3FA2] =	sst s0  }
0x9: {  	[smem:$0x3FA3] =	sst s1  }
0xa: {  	[smem:$0x3FA4] =	sst s2  }
0xb: {  	[smem:$0x3FA5] =	sst s3  }
0xc: {  	[smem:$0x3FA6] =	sst s4  }
0xd: {  	[smem:$0x3FA7] =	sst s5  }
0xe: {  	[smem:$0x3FA8] =	sst s6  }
0xf: {  	[smem:$0x3FA9] =	sst s7  }
0x10: {  	[smem:$0x3FAA] =	sst s8  }
0x11: {  	[smem:$0x3FAB] =	sst s9;
	s0 =	simm.s32 @!p0 $0x0  }
0x12: {  	s1 =	sld [smem:$0x3F91];
	s0 =	simm.s32 @p0 $0x1  }
0x13: {  	[smem:$0x3FAC] =	sst s0;
	s0 =	simm.s32 @!p1 $0x0  }
0x14: {  	s2 =	sld [smem:$0x3F90];
	s0 =	simm.s32 @p1 $0x1  }
0x15: {  	[smem:$0x3FAD] =	sst s0;
	s0 =	simm.s32 @!p2 $0x0  }
0x16: {  	s3 =	sld [smem:$0x3FDB];
	s0 =	simm.s32 @p2 $0x1  }
0x17: {  	s4 =	simm.s32 $0x1BF5;
	[smem:$0x3FAF] =	sst s0  }
0x18: {  	s0 =	sld [smem:$0x3F92];
	_ =	swait.ge [sflag:s4], $0x0  }
0x19: {  	s7 =	sld [smem:$0x3F93]  }
0x1a: {  	s8 =	sadd.s32 $0xFFFFE003, lr  }
0x1b: {  	s9 =	sadd.s32 $0xFFFFFEF7, lr;
	s5 =	simm.s32 $0xFFFFFFFF;
	p2 =	slt.u32 s8, $0xFFFFF086  }
0x1c: {  	p1 =	slt.u32 s9, $0xF7A;
	s5 =	simm.s32 @!p2 $0x0  }
0x1d: {  	s5 =	simm.s32 @p1 $0x1;
	p0 =	seq.s32 s7, s2  }
0x1e: {  	s7 =	smul.u32 @!p0 $0xF7A, s2;
	p2 =	seq.s32 @!p0 s5, $0x0  }
0x1f: {  	s9 =	smul.u32 $0xF7A, s1;
	s8 =	simm.s32 @!p0 $0x1BF5;
	p2 =	por !p2, p0  }
0x20: {  	[sflag:s8] =	ssyncset.s32 @!p0 $0xFFFFF086;
	s6 =	sadd.s32 @!p0 s3, s7;
	s7 =	simm.s32 @!p0 $0x108  }
0x21: {  	s3 =	sadd.s32 s3, s9;
	s6 =	sadd.s32 @!p0 $0x88, s6;
	s7 =	simm.s32 @p2 $0x1082  }
0x22: {  	[simem:s7], [sflag:s8] =	dma.local @!p0 [hbm:s6], $0xF7A  }
0x23: {  	s9 =	sor.u32 $0xD0000000, s2;
	s6 =	simm.s32 $0x108;
	_ =	swait.ge @!p0 [sflag:s8], $0x0  }
0x24: {  	s3 =	sadd.s32 $0x88, s3;
	s6 =	simm.s32 @!p1 $0x1082;
	[sflag:s4] =	ssyncset.s32 $0xFFFFF086  }
0x25: {  	[simem:s6], [sflag:s4] =	dma.local [hbm:s3], $0xF7A  }
0x26: {  	[smem:$0x3F93] =	sst s1;
	(tag) =	ssettag s2;
	_ =	strace s9  }
0x27: {  	s1 =	sld [smem:$0x3FA3]  }
0x28: {  	s2 =	sld [smem:$0x3FA4]  }
0x29: {  	s4 =	sld [smem:$0x3FA6]  }
0x2a: {  	p0 =	seq.s32 s5, $0x0;
	s5 =	sld [smem:$0x3FA7]  }
0x2b: {  	s6 =	sld [smem:$0x3FA8]  }
0x2c: {  	s7 =	sld [smem:$0x3FA9]  }
0x2d: {  	s3 =	simm.s32 $0x108;
	s8 =	sld [smem:$0x3FAA]  }
0x2e: {  	s3 =	simm.s32 @!p0 $0x1082;
	s9 =	sld [smem:$0x3FAB]  }
0x2f: {  	lr =	sadd.s32 s0, s3;
	s0 =	sld [smem:$0x3FA2]  }
0x30: {  	s3 =	sld [smem:$0x3FA5]  }
0x31: {  	[smem:$0x3FAE] =	sst s10  }
0x32: {  	s10 =	sld [smem:$0x3FAC];
	_ =	sdelay $0x3  }
0x33: {  	p0 =	seq.s32 s10, $0x1;
	s10 =	sld [smem:$0x3FAE];
	_ =	sdelay $0x3  }
0x34: {  	[smem:$0x3FAE] =	sst s10  }
0x35: {  	s10 =	sld [smem:$0x3FAD];
	_ =	sdelay $0x3  }
0x36: {  	p1 =	seq.s32 s10, $0x1;
	s10 =	sld [smem:$0x3FAE];
	_ =	sdelay $0x3  }
0x37: {  	[smem:$0x3FAE] =	sst s10  }
0x38: {  	s10 =	sld [smem:$0x3FAF]  }
0x39: {  	_ = 	snop;
	(pc) =	sbr.ind lr, $3  }
0x3a: {  	_ = 	snop  }
0x3b: {  	_ = 	snop  }
0x3c: {  	p2 =	seq.s32 s10, $0x1;
	s10 =	sld [smem:$0x3FAE]  }
0x3d: {  	_ =	shalt  }
0x3e: {  	_ =	shalt  }
0x3f: {  	_ =	shalt  }
0x40: {  	_ =	shalt  }
0x41: {  	_ =	shalt  }
0x42: {  	_ =	shalt  }
0x43: {  	_ =	shalt  }
0x44: {  	_ =	shalt  }
0x45: {  	_ =	shalt  }
0x46: {  	_ =	shalt  }
0x47: {  	_ =	shalt  }
0x48: {  	_ =	shalt  }
0x49: {  	_ =	shalt  }
0x4a: {  	_ =	shalt  }
0x4b: {  	_ =	shalt  }
0x4c: {  	_ =	shalt  }
0x4d: {  	_ =	shalt  }
0x4e: {  	_ =	shalt  }
0x4f: {  	_ =	shalt  }
0x50: {  	_ =	shalt  }
0x51: {  	_ =	shalt  }
0x52: {  	_ =	shalt  }
0x53: {  	_ =	shalt  }
0x54: {  	_ =	shalt  }
0x55: {  	_ =	shalt  }
0x56: {  	_ =	shalt  }
0x57: {  	_ =	shalt  }
0x58: {  	_ =	shalt  }
0x59: {  	_ =	shalt  }
0x5a: {  	_ =	shalt  }
0x5b: {  	_ =	shalt  }
0x5c: {  	_ =	shalt  }
0x5d: {  	_ =	shalt  }
0x5e: {  	_ =	shalt  }
0x5f: {  	_ =	shalt  }
0x60: {  	_ =	shalt  }
0x61: {  	_ =	shalt  }
0x62: {  	_ =	shalt  }
0x63: {  	_ =	shalt  }
0x64: {  	_ =	shalt  }
0x65: {  	_ =	shalt  }
0x66: {  	_ =	shalt  }
0x67: {  	_ =	shalt  }
0x68: {  	_ =	shalt  }
0x69: {  	_ =	shalt  }
0x6a: {  	_ =	shalt  }
0x6b: {  	_ =	shalt  }
0x6c: {  	_ =	shalt  }
0x6d: {  	_ =	shalt  }
0x6e: {  	_ =	shalt  }
0x6f: {  	_ =	shalt  }
0x70: {  	_ =	shalt  }
0x71: {  	_ =	shalt  }
0x72: {  	_ =	shalt  }
0x73: {  	_ =	shalt  }
0x74: {  	_ =	shalt  }
0x75: {  	_ =	shalt  }
0x76: {  	_ =	shalt  }
0x77: {  	_ =	shalt  }
0x78: {  	_ =	shalt  }
0x79: {  	_ =	shalt  }
0x7a: {  	_ =	shalt  }
0x7b: {  	_ =	shalt  }
0x7c: {  	_ =	shalt  }
0x7d: {  	_ =	shalt  }
0x7e: {  	_ =	shalt  }
0x7f: {  	_ =	shalt  }
0x80: {  	_ =	shalt  }
0x81: {  	_ =	shalt  }
0x82: {  	_ =	shalt  }
0x83: {  	_ =	shalt  }
0x84: {  	_ =	shalt  }
0x85: {  	_ =	shalt  }
0x86: {  	_ =	shalt  }
0x87: {  	_ =	shalt  }
.Lfunc_end0:
.L_simem_size_0:
called_computation.1_lowered:
.L_overlay_start_0:
0x88: {  	s2 =	sld [smem:$0x3FD9]  }
0x89: {  	s3 =	sld [smem:$0x3FFE];
	_ =	sdelay $0x1  }
0x8a: {  	s1 =	srdreg.scid  }
0x8b: {  	s0 =	sand.u32 $0x1, s1  }
0x8c: {  	s16 =	sshll.u32 s0, $0xA;
	s2 =	sadd.s32 s3, s2  }
0x8d: {  	s2 =	sadd.s32 s2, s16  }
0x8e: {  	[smem:$0x3FBA] =	sst s2  }
0x8f: {  	_ = 	snop  }
0x90: {  	(tm) =	ssettm $0x1  }
0x91: {  	s17 =	sld [smem:$0x3FFB];
	_ =	sdelay $0x3  }
0x92: {  	_ =	strace s17  }
0x93: {  	s2 =	sld [smem:$0x3FFC];
	_ =	sdelay $0x3  }
0x94: {  	_ =	strace s2  }
0x95: {  	s2 =	sld [smem:$0x3FFD];
	_ =	sdelay $0x3  }
0x96: {  	_ =	strace s2  }
0x97: {  	_ =	strace $0x8FFFFFFF  }
0x98: {  	s18 =	sld [smem:$0x3FDB];
	_ =	sdelay $0x1  }
0x99: {  	s19 =	simm.s32 $_scs_section_size  }
0x9a: {  	s4 =	simm.s32 $_size__tile_overlayer_lowered;
	s5 =	simm.s32 $_tile_overlayer_lowered  }
0x9b: {  	s22 =	simm.s32 $0x1BFF;
	s21 =	sshll.u32 s5, $0x1;
	s2 =	sadd.s32 s19, s18  }
0x9c: {  	s6 =	simm.s32 $0x0;
	s20 =	sshll.u32 s4, $0x1;
	s4 =	sadd.s32 s21, s2  }
0x9d: {  	[timem:s6], [sflag:s22] =	dma.local [hbm:s4], s20  }
0x9e: {  	_ =	swait.ge [sflag:s22], s20  }
0x9f: {  	s3 =	ssub.s32 $0x0, s20;
	[sflag:s22] =	ssyncset.done $0x0  }
0xa0: {  	[sflag:s22] =	ssyncadd.s32 s3;
	_ =	sdelay $0x1  }
0xa1: {  	s23 =	simm.s32 $0x1B8B  }
0xa2: {  	_ =	swait.ge [sflag:s23], $0x1  }
0xa3: {  	[sflag:s23] =	ssyncset.done $0x0  }
0xa4: {  	s25 =	simm.s32 $0x1B8E;
	s24 =	sld [smem:$0x3FFE];
	[sflag:s23] =	ssyncadd.s32 $0xFFFFFFFF  }
0xa5: {  	s26 =	simm.s32 $execute0_lowered;
	[smem:$0x3FD2] =	sst s25  }
0xa6: {  	s4 =	sshll.u32 s26, $0x1;
	_ =	strace $0x80000049;
	[dreg:$0x1] =	wrdreg $0xFFFFFFFF  }
0xa7: {  	s28 =	simm.s32 $_size_execute0_lowered;
	s2 =	sadd.s32 s2, s4;
	[dreg:$0x0] =	wrdreg $0x0  }
0xa8: {  	s4 =	sshll.u32 s28, $0x1;
	[dreg:$0x2] =	wrdreg s2  }
0xa9: {  	[dreg:$0x3] =	wrdreg s4  }
0xaa: {  	[dreg:$0x4] =	wrdreg $0xC0  }
0xab: {  	_ =	task [dreg:s6], $0x5FFFF  }
0xac: {  	[dreg:$0x1] =	wrdreg $0xFFFFFFFF  }
0xad: {  	[dreg:$0x0] =	wrdreg $0x60  }
0xae: {  	[dreg:$0x2] =	wrdreg s24  }
0xaf: {  	[dreg:$0x3] =	wrdreg $0x0  }
0xb0: {  	[dreg:$0x4] =	wrdreg $0x9  }
0xb1: {  	_ =	task.clear_ibuf [dreg:s6], $0x5FFFF;
	_ =	strace $0x90000049  }
0xb2: {  	s29 =	simm.s32 $0x9;
	_ =	strace $0x8000004B  }
0xb3: {  	_ =	swait.ge [sflag:s29], $0x1  }
0xb4: {  	[sflag:s29] =	ssyncadd.s32 $0xFFFFFFFF  }
0xb5: {  	_ =	strace $0x9000004B  }
0xb6: {  	_ =	sfence  }
0xb7: {  	s30 =	sld [smem:$0x0];
	_ =	sdelay $0x2  }
0xb8: {  	s31 =	sshll.u32 s1, $0xD;
	s1 =	sshrl.u32 s1, $0x2  }
0xb9: {  	s3 =	sand.u32 $0x4000, s31;
	s1 =	sadd.s32 s1, s30  }
0xba: {  	s0 =	sor.u32 s3, s0;
	s1 =	sshll.u32 s1, $0x11  }
0xbb: {  	s0 =	sor.u32 s1, s0  }
0xbc: {  	s0 =	sadd.s32 $0x8F2B, s0  }
0xbd: {  	[sflag:s0] =	ssyncadd.remote.s32 $0x1  }
0xbe: {  	_ =	sfence.sel $0xFFFF  }
0xbf: {  	[dreg:$0x0] =	wrdreg $0xFFFFFFFF;
	(pc) =	sbr.abs _section_cstart, $3  }
0xc0: {  	[dreg:$0x1] =	wrdreg $0xFFFFFFFF  }
0xc1: {  	_ =	task.clear_ibuf [dreg:s6], $0x2FFFF;
	_ =	strace $0x9FFFFFFF  }
0xc2: {  	(tm) =	ssettm $0x7FFFFFFF  }
0xc3: {  	_ =	shalt  }
tec
execute0_lowered:
.L_overlay_start_1:
0x0: {  	(tag) =	ssettag $0x1  }
0x1: {  	s5 =	rddreg [dreg:$0x0]  }
0x2: {  	s1 =	rddreg [dreg:$0x1]  }
0x3: {  	s0 =	rddreg [dreg:$0x2];
	s3 =	simm.s32 $0x0  }
0x4: {  	s4 =	srdreg.scid;
	s2 =	stileid.u32;
	s14 =	simm.s32 $0x80  }
0x5: {  	s15 =	simm.s32 $0x14300;
	s16 =	simm.s32 $0x14200;
	s17 =	simm.s32 $0x14080  }
0x6: {  	s18 =	simm.s32 $0x14180;
	s19 =	simm.s32 $0x18300;
	s21 =	smul.u32 $0x2800, s2  }
0x7: {  	[smem:$0x7FF] =	sst s3;
	s6 =	sand.u32 $0x1, s4;
	s8 =	smul.u32 $0x50000, s2  }
0x8: {  	s4 =	sadd.s32 $0xA3600, s5;
	s29 =	sshll.u32 s2, $0x6;
	s31 =	smul.u32 $0x13C0, s2  }
0x9: {  	_ =	strace $0x8000004A;
	s7 =	sshll.u32 s6, $0x4;
	s9 =	smul.u32 $0x28000, s6  }
0xa: {  	s10 =	ssub.s32 $0x2, s6;
	s20 =	smul.u32 $0x2800, s6;
	s6 =	sor.u32 $0x1C01, s29  }
0xb: {  	s7 =	sadd.s32 s7, s5;
	s11 =	sadd.s32 s21, s5;
	s12 =	sshrl.u32 s10, $0x1  }
0xc: {  	s8 =	sshrl.u32 s8, $0x2;
	s9 =	sadd.s32 s9, s5;
	s10 =	ssub.s32 s10, s12  }
0xd: {  	s8 =	sadd.s32 s8, s1;
	s5 =	sadd.s32 $0x67A00, s11;
	s30 =	sadd.s32 $0x8FA00, s7  }
0xe: {  	s13 =	sadd.s32 $0x3E00, s7;
	s11 =	simm.s32 $0x14000;
	v0 =	vmov s20;
	s20 =	simm.s32 $0x14280  }
0xf: {  	s22 =	sadd.s32 $0xF3600, s9;
	s7 =	smax.u32 s10, $0x1;
	s8 =	sshrl.u32 s8, $0x3  }
0x10: {  	s9 =	simm.s32 $0x1;
	s10 =	sadd.s32 s30, s31;
	s12 =	sadd.s32 s13, s31  }
0x11: {  	s13 =	simm.s32 $0x14100;
	s21 =	sadd.s32 s21, s22;
	s22 =	simm.s32 $0x0  }
.LBB2_1:
0x12: {  	[spmem:s8], [sflag:s6] =	dma.local [hbm:s5], $0x2800  }
0x13: {  	_ =	swait.ge [sflag:s9], $0x2800  }
0x14: {  	[sflag:s9] =	ssyncset.done $0x0  }
0x15: {  	[sflag:s9] =	ssyncadd.s32 $0xFFFFD800  }
0x16: {  	s25 =	sadd.s32 $0x0, s10;
	[bflag:$0x0] =	sbarrier.arrive $0xFFFF  }
0x17: {  	[tilespmem:s11], [sflag:$0x1] =	stream.linear.gather [hbm4b:s25+s3], $0x80, $0x38;
	[tilespmem:$0x1C300] =	vst v63  }
0x18: {  	_ =	swait.ge [sflag:s9], $0x80  }
0x19: {  	[sflag:s9] =	ssyncset.done $0x0  }
0x1a: {  	s26 =	sadd.s32 $0x0, s12;
	[sflag:s9] =	ssyncadd.s32 $0xFFFFFF80  }
0x1b: {  	[tilespmem:s13], [sflag:$0x1] =	stream.linear.gather [hbm4b:s26+s3], $0x80, $0x38;
	[tilespmem:$0x1C300] =	vst v63  }
0x1c: {  	_ =	swait.ge [sflag:s9], $0x80  }
0x1d: {  	[sflag:s9] =	ssyncset.done $0x0  }
0x1e: {  	[sflag:s9] =	ssyncadd.s32 $0xFFFFFF80  }
0x1f: {  	v4 =	vld [tilespmem:$0x14100]  }
0x20: {  	v1 =	vld [tilespmem:$0x14120]  }
0x21: {  	v5 =	vld [tilespmem:$0x14160]  }
0x22: {  	v2 =	vld [tilespmem:$0x14140]  }
0x23: {  	s23 =	simm.s32 $0x40;
	v3 =	vld [tilespmem:$0x14030]  }
.LBB2_2:
0x24: {  	p0 =	sne.s32 s23, $0x1380;
	v6 =	vld [tilespmem:$0x14070];
	s24 =	smov.u32 s23;
	s23 =	sadd.s32 $0x40, s23  }
0x25: {  	[tilespmem:$0x14200] =	vst v4;
	v4 =	vld [tilespmem:$0x14020]  }
0x26: {  	v7 =	vld [tilespmem:$0x14010];
	[tilespmem:$0x14260] =	vst v5  }
0x27: {  	v5 =	vld [tilespmem:$0x14040];
	[tilespmem:$0x14240] =	vst v2  }
0x28: {  	v2 =	vadd.s32 v0, v3;
	v3 =	vld [tilespmem:$0x14060]  }
0x29: {  	v8 =	vld [tilespmem:$0x14000];
	[tilespmem:$0x14030] =	vst v2;
	v2 =	vadd.s32 v0, v6  }
0x2a: {  	v4 =	vadd.s32 v0, v4;
	v6 =	vld [tilespmem:$0x14150];
	[tilespmem:$0x14070] =	vst v2  }
0x2b: {  	v2 =	vadd.s32 v0, v7;
	[tilespmem:$0x14020] =	vst v4;
	v4 =	vld [tilespmem:$0x14170]  }
0x2c: {  	[tilespmem:$0x14010] =	vst v2;
	v2 =	vadd.s32 v0, v5;
	v5 =	vld [tilespmem:$0x14050]  }
0x2d: {  	v7 =	vld [tilespmem:$0x14130];
	[tilespmem:$0x14040] =	vst v2;
	v2 =	vadd.s32 v0, v3  }
0x2e: {  	v3 =	vadd.s32 v0, v8;
	v8 =	vld [tilespmem:$0x14110];
	[tilespmem:$0x14220] =	vst v1  }
0x2f: {  	[tilespmem:$0x14000] =	vst v3  }
0x30: {  	[tilespmem:$0x14060] =	vst v2  }
0x31: {  	v1 =	vadd.s32 v0, v5;
	[tilespmem:$0x14250] =	vst v6  }
0x32: {  	[tilespmem:$0x14230] =	vst v7  }
0x33: {  	[tilespmem:$0x14210] =	vst v8  }
0x34: {  	[tilespmem:$0x14050] =	vst v1  }
0x35: {  	[tilespmem:$0x14270] =	vst v4  }
0x36: {  	[tilespmem:s15], [sflag:$0x1] =	stream.indirect.gather [hbm4b:s4+s14], $0x80, s11, s14, $0xb8;
	[tilespmem:$0x1C300] =	vst v63  }
0x37: {  	_ =	swait.ge [sflag:s9], $0x4000  }
0x38: {  	[sflag:s9] =	ssyncset.done $0x0  }
0x39: {  	[sflag:s9] =	ssyncadd.s32 $0xFFFFC000  }
0x3a: {  	[spmem:s1] =	stream.indirect.scatter.add.f32 [tilespmem:s15], [sflag:$0x1], $0x80, s16, s14, $0xb8;
	[tilespmem:$0x1C300] =	vst v63  }
0x3b: {  	_ =	swait.ge [sflag:s9], $0x4000  }
0x3c: {  	[sflag:s9] =	ssyncset.done $0x0  }
0x3d: {  	s25 =	sadd.s32 $0x20, s25;
	[sflag:s9] =	ssyncadd.s32 $0xFFFFC000  }
0x3e: {  	[tilespmem:s17], [sflag:$0x1] =	stream.linear.gather [hbm4b:s25+s3], $0x80, $0x38;
	[tilespmem:$0x1C300] =	vst v63  }
0x3f: {  	_ =	swait.ge [sflag:s9], $0x80  }
0x40: {  	[sflag:s9] =	ssyncset.done $0x0  }
0x41: {  	s25 =	sadd.s32 $0x20, s26;
	[sflag:s9] =	ssyncadd.s32 $0xFFFFFF80  }
0x42: {  	[tilespmem:s18], [sflag:$0x1] =	stream.linear.gather [hbm4b:s25+s3], $0x80, $0x38;
	[tilespmem:$0x1C300] =	vst v63  }
0x43: {  	_ =	swait.ge [sflag:s9], $0x80  }
0x44: {  	[sflag:s9] =	ssyncset.done $0x0  }
0x45: {  	[sflag:s9] =	ssyncadd.s32 $0xFFFFFF80  }
0x46: {  	v1 =	vld [tilespmem:$0x141E0]  }
0x47: {  	v2 =	vld [tilespmem:$0x14090]  }
0x48: {  	v3 =	vld [tilespmem:$0x140A0]  }
0x49: {  	v4 =	vld [tilespmem:$0x140B0]  }
0x4a: {  	v5 =	vld [tilespmem:$0x140C0]  }
0x4b: {  	v6 =	vld [tilespmem:$0x140D0];
	[tilespmem:$0x142E0] =	vst v1  }
0x4c: {  	v1 =	vadd.s32 v0, v2;
	v2 =	vld [tilespmem:$0x140F0]  }
0x4d: {  	v7 =	vld [tilespmem:$0x14180];
	[tilespmem:$0x14090] =	vst v1;
	v1 =	vadd.s32 v0, v3  }
0x4e: {  	v3 =	vld [tilespmem:$0x14190];
	[tilespmem:$0x140A0] =	vst v1;
	v1 =	vadd.s32 v0, v4  }
0x4f: {  	v4 =	vld [tilespmem:$0x141A0];
	[tilespmem:$0x140B0] =	vst v1;
	v1 =	vadd.s32 v0, v5  }
0x50: {  	v5 =	vld [tilespmem:$0x141B0];
	[tilespmem:$0x140C0] =	vst v1;
	v1 =	vadd.s32 v0, v6  }
0x51: {  	v6 =	vld [tilespmem:$0x141C0];
	[tilespmem:$0x140D0] =	vst v1;
	v1 =	vadd.s32 v0, v2  }
0x52: {  	v2 =	vld [tilespmem:$0x140E0];
	[tilespmem:$0x140F0] =	vst v1  }
0x53: {  	[tilespmem:$0x14290] =	vst v3;
	v1 =	vld [tilespmem:$0x141D0]  }
0x54: {  	v3 =	vld [tilespmem:$0x14080];
	[tilespmem:$0x142A0] =	vst v4  }
0x55: {  	[tilespmem:$0x142B0] =	vst v5;
	v4 =	vld [tilespmem:$0x141F0]  }
0x56: {  	[tilespmem:$0x142C0] =	vst v6  }
0x57: {  	[tilespmem:$0x14280] =	vst v7;
	v2 =	vadd.s32 v0, v2  }
0x58: {  	[tilespmem:$0x140E0] =	vst v2  }
0x59: {  	v2 =	vadd.s32 v0, v3;
	[tilespmem:$0x142D0] =	vst v1  }
0x5a: {  	[tilespmem:$0x14080] =	vst v2  }
0x5b: {  	[tilespmem:$0x142F0] =	vst v4  }
0x5c: {  	[tilespmem:s19], [sflag:$0x1] =	stream.indirect.gather [hbm4b:s4+s14], $0x80, s17, s14, $0xb8;
	[tilespmem:$0x1C300] =	vst v63  }
0x5d: {  	_ =	swait.ge [sflag:s9], $0x4000  }
0x5e: {  	[sflag:s9] =	ssyncset.done $0x0  }
0x5f: {  	[sflag:s9] =	ssyncadd.s32 $0xFFFFC000  }
0x60: {  	[spmem:s1] =	stream.indirect.scatter.add.f32 [tilespmem:s19], [sflag:$0x1], $0x80, s20, s14, $0xb8;
	[tilespmem:$0x1C300] =	vst v63  }
0x61: {  	_ =	swait.ge [sflag:s9], $0x4000  }
0x62: {  	[sflag:s9] =	ssyncset.done $0x0  }
0x63: {  	s25 =	sadd.s32 s24, s10;
	[sflag:s9] =	ssyncadd.s32 $0xFFFFC000  }
0x64: {  	[tilespmem:s11], [sflag:$0x1] =	stream.linear.gather [hbm4b:s25+s3], $0x80, $0x38;
	[tilespmem:$0x1C300] =	vst v63  }
0x65: {  	_ =	swait.ge [sflag:s9], $0x80  }
0x66: {  	[sflag:s9] =	ssyncset.done $0x0  }
0x67: {  	s26 =	sadd.s32 s24, s12;
	[sflag:s9] =	ssyncadd.s32 $0xFFFFFF80  }
0x68: {  	[tilespmem:s13], [sflag:$0x1] =	stream.linear.gather [hbm4b:s26+s3], $0x80, $0x38;
	[tilespmem:$0x1C300] =	vst v63  }
0x69: {  	_ =	swait.ge [sflag:s9], $0x80  }
0x6a: {  	[sflag:s9] =	ssyncset.done $0x0  }
0x6b: {  	[sflag:s9] =	ssyncadd.s32 $0xFFFFFF80  }
.Ltmp0:
0x6c: {  	v4 =	vld [tilespmem:$0x14100];
	(pc) =	sbr.rel @p0 .LBB2_2-.Ltmp0, $4  }
0x6d: {  	v1 =	vld [tilespmem:$0x14120]  }
0x6e: {  	v5 =	vld [tilespmem:$0x14160]  }
0x6f: {  	v2 =	vld [tilespmem:$0x14140]  }
0x70: {  	v3 =	vld [tilespmem:$0x14030]  }
0x71: {  	v6 =	vld [tilespmem:$0x14070]  }
0x72: {  	[tilespmem:$0x14200] =	vst v4;
	v54 =	vld [tilespmem:$0x14130]  }
0x73: {  	v55 =	vld [tilespmem:$0x14110];
	[tilespmem:$0x14220] =	vst v1  }
0x74: {  	v7 =	vld [tilespmem:$0x14020];
	[tilespmem:$0x14260] =	vst v5  }
0x75: {  	v49 =	vld [tilespmem:$0x14010];
	[tilespmem:$0x14240] =	vst v2;
	v2 =	vadd.s32 v0, v3  }
0x76: {  	v3 =	vld [tilespmem:$0x14000];
	[tilespmem:$0x14030] =	vst v2  }
0x77: {  	v50 =	vld [tilespmem:$0x14040];
	[tilespmem:$0x14230] =	vst v54  }
0x78: {  	v51 =	vld [tilespmem:$0x14060];
	v2 =	vadd.s32 v0, v6;
	[tilespmem:$0x14210] =	vst v55  }
0x79: {  	v53 =	vld [tilespmem:$0x14050];
	v7 =	vadd.s32 v0, v7;
	[tilespmem:$0x14070] =	vst v2  }
0x7a: {  	v4 =	vadd.s32 v0, v49;
	[tilespmem:$0x14020] =	vst v7  }
0x7b: {  	v2 =	vld [tilespmem:$0x14150];
	[tilespmem:$0x14010] =	vst v4;
	v3 =	vadd.s32 v0, v3  }
0x7c: {  	v52 =	vadd.s32 v0, v50;
	[tilespmem:$0x14000] =	vst v3;
	v3 =	vld [tilespmem:$0x14170]  }
0x7d: {  	v1 =	vadd.s32 v0, v51;
	[tilespmem:$0x14040] =	vst v52  }
0x7e: {  	[tilespmem:$0x14060] =	vst v1;
	v1 =	vadd.s32 v0, v53  }
0x7f: {  	[tilespmem:$0x14050] =	vst v1  }
0x80: {  	[tilespmem:$0x14250] =	vst v2  }
0x81: {  	[tilespmem:$0x14270] =	vst v3  }
0x82: {  	[tilespmem:s15], [sflag:$0x1] =	stream.indirect.gather [hbm4b:s4+s14], $0x80, s11, s14, $0xb8;
	[tilespmem:$0x1C300] =	vst v63  }
0x83: {  	_ =	swait.ge [sflag:s9], $0x4000  }
0x84: {  	[sflag:s9] =	ssyncset.done $0x0  }
0x85: {  	[sflag:s9] =	ssyncadd.s32 $0xFFFFC000  }
0x86: {  	[spmem:s1] =	stream.indirect.scatter.add.f32 [tilespmem:s15], [sflag:$0x1], $0x80, s16, s14, $0xb8;
	[tilespmem:$0x1C300] =	vst v63  }
0x87: {  	_ =	swait.ge [sflag:s9], $0x4000  }
0x88: {  	[sflag:s9] =	ssyncset.done $0x0  }
0x89: {  	s23 =	sadd.s32 $0x20, s25;
	[sflag:s9] =	ssyncadd.s32 $0xFFFFC000  }
0x8a: {  	[tilespmem:s17], [sflag:$0x1] =	stream.linear.gather [hbm4b:s23+s3], $0x80, $0x38;
	[tilespmem:$0x1C300] =	vst v63  }
0x8b: {  	_ =	swait.ge [sflag:s9], $0x80  }
0x8c: {  	[sflag:s9] =	ssyncset.done $0x0  }
0x8d: {  	s31 =	sadd.s32 $0x20, s26;
	[sflag:s9] =	ssyncadd.s32 $0xFFFFFF80  }
0x8e: {  	[tilespmem:s18], [sflag:$0x1] =	stream.linear.gather [hbm4b:s31+s3], $0x80, $0x38;
	[tilespmem:$0x1C300] =	vst v63  }
0x8f: {  	_ =	swait.ge [sflag:s9], $0x80  }
0x90: {  	[sflag:s9] =	ssyncset.done $0x0  }
0x91: {  	[sflag:s9] =	ssyncadd.s32 $0xFFFFFF80  }
0x92: {  	v1 =	vld [tilespmem:$0x141E0]  }
0x93: {  	v2 =	vld [tilespmem:$0x14090]  }
0x94: {  	v60 =	vld [tilespmem:$0x141A0]  }
0x95: {  	v61 =	vld [tilespmem:$0x141B0]  }
0x96: {  	v3 =	vld [tilespmem:$0x140A0]  }
0x97: {  	v56 =	vld [tilespmem:$0x140B0]  }
0x98: {  	v57 =	vld [tilespmem:$0x140C0];
	[tilespmem:$0x142E0] =	vst v1  }
0x99: {  	v58 =	vld [tilespmem:$0x140D0];
	[tilespmem:$0x142A0] =	vst v60  }
0x9a: {  	v1 =	vadd.s32 v0, v2;
	v2 =	vld [tilespmem:$0x140F0];
	[tilespmem:$0x142B0] =	vst v61  }
0x9b: {  	v59 =	vld [tilespmem:$0x14180];
	[tilespmem:$0x14090] =	vst v1;
	v1 =	vadd.s32 v0, v3  }
0x9c: {  	v3 =	vld [tilespmem:$0x14190];
	[tilespmem:$0x140A0] =	vst v1;
	v1 =	vadd.s32 v0, v56  }
0x9d: {  	v62 =	vld [tilespmem:$0x141C0];
	[tilespmem:$0x140B0] =	vst v1;
	v1 =	vadd.s32 v0, v57  }
0x9e: {  	v63 =	vld [tilespmem:$0x141F0];
	[tilespmem:$0x140C0] =	vst v1;
	v1 =	vadd.s32 v0, v58  }
0x9f: {  	[tilespmem:$0x140D0] =	vst v1;
	v1 =	vadd.s32 v0, v2;
	v2 =	vld [tilespmem:$0x140E0]  }
0xa0: {  	[tilespmem:$0x140F0] =	vst v1;
	v1 =	vld [tilespmem:$0x141D0]  }
0xa1: {  	[tilespmem:$0x14290] =	vst v3;
	v3 =	vld [tilespmem:$0x14080]  }
0xa2: {  	[tilespmem:$0x142C0] =	vst v62  }
0xa3: {  	[tilespmem:$0x14280] =	vst v59  }
0xa4: {  	[tilespmem:$0x142F0] =	vst v63;
	v2 =	vadd.s32 v0, v2  }
0xa5: {  	[tilespmem:$0x140E0] =	vst v2  }
0xa6: {  	v2 =	vadd.s32 v0, v3;
	[tilespmem:$0x142D0] =	vst v1  }
0xa7: {  	[tilespmem:$0x14080] =	vst v2  }
0xa8: {  	[tilespmem:s19], [sflag:$0x1] =	stream.indirect.gather [hbm4b:s4+s14], $0x80, s17, s14, $0xb8;
	[tilespmem:$0x1C300] =	vst v63  }
0xa9: {  	_ =	swait.ge [sflag:s9], $0x4000  }
0xaa: {  	[sflag:s9] =	ssyncset.done $0x0  }
0xab: {  	[sflag:s9] =	ssyncadd.s32 $0xFFFFC000  }
0xac: {  	[spmem:s1] =	stream.indirect.scatter.add.f32 [tilespmem:s19], [sflag:$0x1], $0x80, s20, s14, $0xb8;
	[tilespmem:$0x1C300] =	vst v63  }
0xad: {  	_ =	swait.ge [sflag:s9], $0x4000  }
0xae: {  	[sflag:s9] =	ssyncset.done $0x0  }
0xaf: {  	[sflag:s9] =	ssyncadd.s32 $0xFFFFC000  }
0xb0: {  	[bflag:$0x0] =	sbarrier.arrive $0xFFFF  }
0xb1: {  	_ =	sdelay $0x7ff  }
0xb2: {  	_ =	sdelay $0x7ff  }
0xb3: {  	_ =	sdelay $0x7ff  }
0xb4: {  	_ =	sdelay $0x7ff  }
0xb5: {  	_ =	sdelay $0x7ff  }
0xb6: {  	_ =	sdelay $0x7ff  }
0xb7: {  	_ =	sdelay $0x7ff  }
0xb8: {  	_ =	sdelay $0x7ff  }
0xb9: {  	_ =	sdelay $0x7ff  }
0xba: {  	_ =	sdelay $0x7ff  }
0xbb: {  	_ =	sdelay $0x7ff  }
0xbc: {  	_ =	sdelay $0x7ff  }
0xbd: {  	_ =	sdelay $0x7ff  }
0xbe: {  	_ =	sdelay $0x7ff  }
0xbf: {  	_ =	sdelay $0x7ff  }
0xc0: {  	_ =	sdelay $0x7ff  }
0xc1: {  	_ =	sdelay $0x7ff  }
0xc2: {  	s22 =	sadd.s32 $0x1, s22;
	_ =	sdelay $0x7ff  }
0xc3: {  	p0 =	sne.s32 s22, s7;
	_ =	sdelay $0xc9  }
.Ltmp1:
0xc4: {  	[bflag:$0x0] =	sbarrier.arrive $0xFFFF;
	(pc) =	sbr.rel @p0 .LBB2_1-.Ltmp1, $4  }
0xc5: {  	[hbm:s21], [sflag:s6] =	dma.local [spmem:s8], $0x2800  }
0xc6: {  	_ =	swait.ge [sflag:s9], $0x2800  }
0xc7: {  	[sflag:s9] =	ssyncset.done $0x0  }
0xc8: {  	[sflag:s9] =	ssyncadd.s32 $0xFFFFD800  }
0xc9: {  	_ =	sfence.sel $0x180000  }
0xca: {  	[bflag:$0x0] =	sbarrier.arrive $0xFFFF  }
0xcb: {  	p0 =	sne.s32 s2, $0x0;
	_ =	strace $0x9000004A  }
0xcc: {  	s0 =	sadd.s32 @!p0 $0x100000, s0;
	[bflag:$0x2] =	sbarrier.arrive $0xFFFF  }
0xcd: {  	[sflag:s0] =	ssyncadd.tile.s32 @!p0 $0x1;
	_ =	shalt  }
.Lfunc_end2:
_tile_overlayer_lowered:
.L_overlay_start_2:
0xce: {  	(tag) =	ssettag $0x2  }
0xcf: {  	s0 =	rddreg [dreg:$0x0];
	s2 =	stileid.u32  }
0xd0: {  	s1 =	rddreg [dreg:$0x1];
	p0 =	sne.s32 s2, $0x0  }
0xd1: {  	s3 =	rddreg [dreg:$0x2];
	[bflag:$0x3] =	sbarrier.arrive $0xFFFF;
	s2 =	simm.s32 @!p0 $0x1C01  }
0xd2: {  	[timem:s3], [sflag:s2] =	dma.local @!p0 [hbm:s0], s1  }
0xd3: {  	s0 =	simm.s32 @!p0 $0x1  }
0xd4: {  	_ =	swait.ge @!p0 [sflag:s0], s1  }
0xd5: {  	s1 =	ssub.s32 @!p0 $0x0, s1;
	[sflag:s0] =	ssyncset.done @!p0 $0x0  }
0xd6: {  	[sflag:s0] =	ssyncadd.s32 @!p0 s1  }
0xd7: {  	[bflag:$0x3] =	sbarrier.arrive $0xFFFF  }
0xd8: {  	_ =	shalt  }

// kernel: kernel.16.cloned.1.call-start
scs
__scs_entry_jumppad:
0x0: {  	(pc) =	sbr.rel $0x88, $3  }
0x1: {  	(tag) =	ssettag $0x0;
	lr =	simm.s32 $0x1  }
0x2: {  	[smem:$0x3F93] =	sst lr;
	_ =	strace $0xD0000000  }
0x3: {  	_ = 	snop  }
0x4: {  	_ = 	snop  }
0x5: {  	_ = 	snop  }
0x6: {  	_ = 	snop  }
0x7: {  	_ = 	snop  }
__scs_overlays_trampoline_lowered:
0x8: {  	[smem:$0x3FA2] =	sst s0  }
0x9: {  	[smem:$0x3FA3] =	sst s1  }
0xa: {  	[smem:$0x3FA4] =	sst s2  }
0xb: {  	[smem:$0x3FA5] =	sst s3  }
0xc: {  	[smem:$0x3FA6] =	sst s4  }
0xd: {  	[smem:$0x3FA7] =	sst s5  }
0xe: {  	[smem:$0x3FA8] =	sst s6  }
0xf: {  	[smem:$0x3FA9] =	sst s7  }
0x10: {  	[smem:$0x3FAA] =	sst s8  }
0x11: {  	[smem:$0x3FAB] =	sst s9;
	s0 =	simm.s32 @!p0 $0x0  }
0x12: {  	s1 =	sld [smem:$0x3F91];
	s0 =	simm.s32 @p0 $0x1  }
0x13: {  	[smem:$0x3FAC] =	sst s0;
	s0 =	simm.s32 @!p1 $0x0  }
0x14: {  	s2 =	sld [smem:$0x3F90];
	s0 =	simm.s32 @p1 $0x1  }
0x15: {  	[smem:$0x3FAD] =	sst s0;
	s0 =	simm.s32 @!p2 $0x0  }
0x16: {  	s3 =	sld [smem:$0x3FDB];
	s0 =	simm.s32 @p2 $0x1  }
0x17: {  	s4 =	simm.s32 $0x1BF5;
	[smem:$0x3FAF] =	sst s0  }
0x18: {  	s0 =	sld [smem:$0x3F92];
	_ =	swait.ge [sflag:s4], $0x0  }
0x19: {  	s7 =	sld [smem:$0x3F93]  }
0x1a: {  	s8 =	sadd.s32 $0xFFFFE003, lr  }
0x1b: {  	s9 =	sadd.s32 $0xFFFFFEF7, lr;
	s5 =	simm.s32 $0xFFFFFFFF;
	p2 =	slt.u32 s8, $0xFFFFF086  }
0x1c: {  	p1 =	slt.u32 s9, $0xF7A;
	s5 =	simm.s32 @!p2 $0x0  }
0x1d: {  	s5 =	simm.s32 @p1 $0x1;
	p0 =	seq.s32 s7, s2  }
0x1e: {  	s7 =	smul.u32 @!p0 $0xF7A, s2;
	p2 =	seq.s32 @!p0 s5, $0x0  }
0x1f: {  	s9 =	smul.u32 $0xF7A, s1;
	s8 =	simm.s32 @!p0 $0x1BF5;
	p2 =	por !p2, p0  }
0x20: {  	[sflag:s8] =	ssyncset.s32 @!p0 $0xFFFFF086;
	s6 =	sadd.s32 @!p0 s3, s7;
	s7 =	simm.s32 @!p0 $0x108  }
0x21: {  	s3 =	sadd.s32 s3, s9;
	s6 =	sadd.s32 @!p0 $0x88, s6;
	s7 =	simm.s32 @p2 $0x1082  }
0x22: {  	[simem:s7], [sflag:s8] =	dma.local @!p0 [hbm:s6], $0xF7A  }
0x23: {  	s9 =	sor.u32 $0xD0000000, s2;
	s6 =	simm.s32 $0x108;
	_ =	swait.ge @!p0 [sflag:s8], $0x0  }
0x24: {  	s3 =	sadd.s32 $0x88, s3;
	s6 =	simm.s32 @!p1 $0x1082;
	[sflag:s4] =	ssyncset.s32 $0xFFFFF086  }
0x25: {  	[simem:s6], [sflag:s4] =	dma.local [hbm:s3], $0xF7A  }
0x26: {  	[smem:$0x3F93] =	sst s1;
	(tag) =	ssettag s2;
	_ =	strace s9  }
0x27: {  	s1 =	sld [smem:$0x3FA3]  }
0x28: {  	s2 =	sld [smem:$0x3FA4]  }
0x29: {  	s4 =	sld [smem:$0x3FA6]  }
0x2a: {  	p0 =	seq.s32 s5, $0x0;
	s5 =	sld [smem:$0x3FA7]  }
0x2b: {  	s6 =	sld [smem:$0x3FA8]  }
0x2c: {  	s7 =	sld [smem:$0x3FA9]  }
0x2d: {  	s3 =	simm.s32 $0x108;
	s8 =	sld [smem:$0x3FAA]  }
0x2e: {  	s3 =	simm.s32 @!p0 $0x1082;
	s9 =	sld [smem:$0x3FAB]  }
0x2f: {  	lr =	sadd.s32 s0, s3;
	s0 =	sld [smem:$0x3FA2]  }
0x30: {  	s3 =	sld [smem:$0x3FA5]  }
0x31: {  	[smem:$0x3FAE] =	sst s10  }
0x32: {  	s10 =	sld [smem:$0x3FAC];
	_ =	sdelay $0x3  }
0x33: {  	p0 =	seq.s32 s10, $0x1;
	s10 =	sld [smem:$0x3FAE];
	_ =	sdelay $0x3  }
0x34: {  	[smem:$0x3FAE] =	sst s10  }
0x35: {  	s10 =	sld [smem:$0x3FAD];
	_ =	sdelay $0x3  }
0x36: {  	p1 =	seq.s32 s10, $0x1;
	s10 =	sld [smem:$0x3FAE];
	_ =	sdelay $0x3  }
0x37: {  	[smem:$0x3FAE] =	sst s10  }
0x38: {  	s10 =	sld [smem:$0x3FAF]  }
0x39: {  	_ = 	snop;
	(pc) =	sbr.ind lr, $3  }
0x3a: {  	_ = 	snop  }
0x3b: {  	_ = 	snop  }
0x3c: {  	p2 =	seq.s32 s10, $0x1;
	s10 =	sld [smem:$0x3FAE]  }
0x3d: {  	_ =	shalt  }
0x3e: {  	_ =	shalt  }
0x3f: {  	_ =	shalt  }
0x40: {  	_ =	shalt  }
0x41: {  	_ =	shalt  }
0x42: {  	_ =	shalt  }
0x43: {  	_ =	shalt  }
0x44: {  	_ =	shalt  }
0x45: {  	_ =	shalt  }
0x46: {  	_ =	shalt  }
0x47: {  	_ =	shalt  }
0x48: {  	_ =	shalt  }
0x49: {  	_ =	shalt  }
0x4a: {  	_ =	shalt  }
0x4b: {  	_ =	shalt  }
0x4c: {  	_ =	shalt  }
0x4d: {  	_ =	shalt  }
0x4e: {  	_ =	shalt  }
0x4f: {  	_ =	shalt  }
0x50: {  	_ =	shalt  }
0x51: {  	_ =	shalt  }
0x52: {  	_ =	shalt  }
0x53: {  	_ =	shalt  }
0x54: {  	_ =	shalt  }
0x55: {  	_ =	shalt  }
0x56: {  	_ =	shalt  }
0x57: {  	_ =	shalt  }
0x58: {  	_ =	shalt  }
0x59: {  	_ =	shalt  }
0x5a: {  	_ =	shalt  }
0x5b: {  	_ =	shalt  }
0x5c: {  	_ =	shalt  }
0x5d: {  	_ =	shalt  }
0x5e: {  	_ =	shalt  }
0x5f: {  	_ =	shalt  }
0x60: {  	_ =	shalt  }
0x61: {  	_ =	shalt  }
0x62: {  	_ =	shalt  }
0x63: {  	_ =	shalt  }
0x64: {  	_ =	shalt  }
0x65: {  	_ =	shalt  }
0x66: {  	_ =	shalt  }
0x67: {  	_ =	shalt  }
0x68: {  	_ =	shalt  }
0x69: {  	_ =	shalt  }
0x6a: {  	_ =	shalt  }
0x6b: {  	_ =	shalt  }
0x6c: {  	_ =	shalt  }
0x6d: {  	_ =	shalt  }
0x6e: {  	_ =	shalt  }
0x6f: {  	_ =	shalt  }
0x70: {  	_ =	shalt  }
0x71: {  	_ =	shalt  }
0x72: {  	_ =	shalt  }
0x73: {  	_ =	shalt  }
0x74: {  	_ =	shalt  }
0x75: {  	_ =	shalt  }
0x76: {  	_ =	shalt  }
0x77: {  	_ =	shalt  }
0x78: {  	_ =	shalt  }
0x79: {  	_ =	shalt  }
0x7a: {  	_ =	shalt  }
0x7b: {  	_ =	shalt  }
0x7c: {  	_ =	shalt  }
0x7d: {  	_ =	shalt  }
0x7e: {  	_ =	shalt  }
0x7f: {  	_ =	shalt  }
0x80: {  	_ =	shalt  }
0x81: {  	_ =	shalt  }
0x82: {  	_ =	shalt  }
0x83: {  	_ =	shalt  }
0x84: {  	_ =	shalt  }
0x85: {  	_ =	shalt  }
0x86: {  	_ =	shalt  }
0x87: {  	_ =	shalt  }
.Lfunc_end0:
.L_simem_size_0:
called_computation.2_lowered:
.L_overlay_start_0:
0x88: {  	s2 =	sld [smem:$0x3FD9]  }
0x89: {  	s3 =	sld [smem:$0x3FFE];
	_ =	sdelay $0x1  }
0x8a: {  	s1 =	srdreg.scid  }
0x8b: {  	s0 =	sand.u32 $0x1, s1  }
0x8c: {  	s16 =	sshll.u32 s0, $0xA;
	s2 =	sadd.s32 s3, s2  }
0x8d: {  	s2 =	sadd.s32 s2, s16  }
0x8e: {  	[smem:$0x3FBA] =	sst s2  }
0x8f: {  	_ = 	snop  }
0x90: {  	(tm) =	ssettm $0x1  }
0x91: {  	s17 =	sld [smem:$0x3FFB];
	_ =	sdelay $0x3  }
0x92: {  	_ =	strace s17  }
0x93: {  	s2 =	sld [smem:$0x3FFC];
	_ =	sdelay $0x3  }
0x94: {  	_ =	strace s2  }
0x95: {  	s2 =	sld [smem:$0x3FFD];
	_ =	sdelay $0x3  }
0x96: {  	_ =	strace s2  }
0x97: {  	_ =	strace $0x8FFFFFFF  }
0x98: {  	s18 =	sld [smem:$0x3FDB];
	_ =	sdelay $0x1  }
0x99: {  	s19 =	simm.s32 $_scs_section_size  }
0x9a: {  	s4 =	simm.s32 $_size__tile_overlayer_lowered;
	s5 =	simm.s32 $_tile_overlayer_lowered  }
0x9b: {  	s22 =	simm.s32 $0x1BFF;
	s21 =	sshll.u32 s5, $0x1;
	s2 =	sadd.s32 s19, s18  }
0x9c: {  	s6 =	simm.s32 $0x0;
	s20 =	sshll.u32 s4, $0x1;
	s4 =	sadd.s32 s21, s2  }
0x9d: {  	[timem:s6], [sflag:s22] =	dma.local [hbm:s4], s20  }
0x9e: {  	_ =	swait.ge [sflag:s22], s20  }
0x9f: {  	s3 =	ssub.s32 $0x0, s20;
	[sflag:s22] =	ssyncset.done $0x0  }
0xa0: {  	[sflag:s22] =	ssyncadd.s32 s3;
	_ =	sdelay $0x1  }
0xa1: {  	s23 =	simm.s32 $0x1B8B  }
0xa2: {  	_ =	swait.ge [sflag:s23], $0x1  }
0xa3: {  	[sflag:s23] =	ssyncset.done $0x0  }
0xa4: {  	s25 =	simm.s32 $0x1B8E;
	s24 =	sld [smem:$0x3FFE];
	[sflag:s23] =	ssyncadd.s32 $0xFFFFFFFF  }
0xa5: {  	s26 =	simm.s32 $execute0_lowered;
	[smem:$0x3FD2] =	sst s25  }
0xa6: {  	s4 =	sshll.u32 s26, $0x1;
	_ =	strace $0x8000004C;
	[dreg:$0x1] =	wrdreg $0xFFFFFFFF  }
0xa7: {  	s28 =	simm.s32 $_size_execute0_lowered;
	s2 =	sadd.s32 s2, s4;
	[dreg:$0x0] =	wrdreg $0x0  }
0xa8: {  	s4 =	sshll.u32 s28, $0x1;
	[dreg:$0x2] =	wrdreg s2  }
0xa9: {  	[dreg:$0x3] =	wrdreg s4  }
0xaa: {  	[dreg:$0x4] =	wrdreg $0xC0  }
0xab: {  	_ =	task [dreg:s6], $0x5FFFF  }
0xac: {  	[dreg:$0x1] =	wrdreg $0xFFFFFFFF  }
0xad: {  	[dreg:$0x0] =	wrdreg $0x60  }
0xae: {  	[dreg:$0x2] =	wrdreg s24  }
0xaf: {  	[dreg:$0x3] =	wrdreg $0x0  }
0xb0: {  	[dreg:$0x4] =	wrdreg $0x9  }
0xb1: {  	_ =	task.clear_ibuf [dreg:s6], $0x5FFFF;
	_ =	strace $0x9000004C  }
0xb2: {  	s29 =	simm.s32 $0x9;
	_ =	strace $0x8000004E  }
0xb3: {  	_ =	swait.ge [sflag:s29], $0x1  }
0xb4: {  	[sflag:s29] =	ssyncadd.s32 $0xFFFFFFFF  }
0xb5: {  	_ =	strace $0x9000004E  }
0xb6: {  	_ =	sfence  }
0xb7: {  	s30 =	sld [smem:$0x0];
	_ =	sdelay $0x2  }
0xb8: {  	s31 =	sshll.u32 s1, $0xD;
	s1 =	sshrl.u32 s1, $0x2  }
0xb9: {  	s3 =	sand.u32 $0x4000, s31;
	s1 =	sadd.s32 s1, s30  }
0xba: {  	s0 =	sor.u32 s3, s0;
	s1 =	sshll.u32 s1, $0x11  }
0xbb: {  	s0 =	sor.u32 s1, s0  }
0xbc: {  	s0 =	sadd.s32 $0x8F2B, s0  }
0xbd: {  	[sflag:s0] =	ssyncadd.remote.s32 $0x1  }
0xbe: {  	_ =	sfence.sel $0xFFFF  }
0xbf: {  	[dreg:$0x0] =	wrdreg $0xFFFFFFFF;
	(pc) =	sbr.abs _section_cstart, $3  }
0xc0: {  	[dreg:$0x1] =	wrdreg $0xFFFFFFFF  }
0xc1: {  	_ =	task.clear_ibuf [dreg:s6], $0x2FFFF;
	_ =	strace $0x9FFFFFFF  }
0xc2: {  	(tm) =	ssettm $0x7FFFFFFF  }
0xc3: {  	_ =	shalt  }
tec
execute0_lowered:
.L_overlay_start_1:
0x0: {  	(tag) =	ssettag $0x1  }
0x1: {  	s5 =	rddreg [dreg:$0x0]  }
0x2: {  	s1 =	rddreg [dreg:$0x1]  }
0x3: {  	s0 =	rddreg [dreg:$0x2];
	s3 =	simm.s32 $0x0  }
0x4: {  	s4 =	srdreg.scid;
	s2 =	stileid.u32;
	s14 =	simm.s32 $0x80  }
0x5: {  	s15 =	simm.s32 $0x14300;
	s16 =	simm.s32 $0x14200;
	s17 =	simm.s32 $0x14080  }
0x6: {  	s18 =	simm.s32 $0x14180;
	s19 =	simm.s32 $0x18300;
	s21 =	smul.u32 $0x2800, s2  }
0x7: {  	[smem:$0x7FF] =	sst s3;
	s6 =	sand.u32 $0x1, s4;
	s8 =	smul.u32 $0x50000, s2  }
0x8: {  	s4 =	sadd.s32 $0xA3600, s5;
	s29 =	sshll.u32 s2, $0x6;
	s31 =	smul.u32 $0x13C0, s2  }
0x9: {  	_ =	strace $0x8000004D;
	s7 =	sshll.u32 s6, $0x4;
	s9 =	smul.u32 $0x28000, s6  }
0xa: {  	s10 =	ssub.s32 $0x2, s6;
	s20 =	smul.u32 $0x2800, s6;
	s6 =	sor.u32 $0x1C01, s29  }
0xb: {  	s7 =	sadd.s32 s7, s5;
	s11 =	sadd.s32 s21, s5;
	s12 =	sshrl.u32 s10, $0x1  }
0xc: {  	s8 =	sshrl.u32 s8, $0x2;
	s9 =	sadd.s32 s9, s5;
	s10 =	ssub.s32 s10, s12  }
0xd: {  	s8 =	sadd.s32 s8, s1;
	s5 =	sadd.s32 $0x67A00, s11;
	s30 =	sadd.s32 $0x8FA00, s7  }
0xe: {  	s13 =	sadd.s32 $0x3E00, s7;
	s11 =	simm.s32 $0x14000;
	v0 =	vmov s20;
	s20 =	simm.s32 $0x14280  }
0xf: {  	s22 =	sadd.s32 $0xF3600, s9;
	s7 =	smax.u32 s10, $0x1;
	s8 =	sshrl.u32 s8, $0x3  }
0x10: {  	s9 =	simm.s32 $0x1;
	s10 =	sadd.s32 s30, s31;
	s12 =	sadd.s32 s13, s31  }
0x11: {  	s13 =	simm.s32 $0x14100;
	s21 =	sadd.s32 s21, s22;
	s22 =	simm.s32 $0x0  }
.LBB2_1:
0x12: {  	[spmem:s8], [sflag:s6] =	dma.local [hbm:s5], $0x2800  }
0x13: {  	_ =	swait.ge [sflag:s9], $0x2800  }
0x14: {  	[sflag:s9] =	ssyncset.done $0x0  }
0x15: {  	[sflag:s9] =	ssyncadd.s32 $0xFFFFD800  }
0x16: {  	s25 =	sadd.s32 $0x0, s10;
	[bflag:$0x0] =	sbarrier.arrive $0xFFFF  }
0x17: {  	[tilespmem:s11], [sflag:$0x1] =	stream.linear.gather [hbm4b:s25+s3], $0x80, $0x38;
	[tilespmem:$0x1C300] =	vst v63  }
0x18: {  	_ =	swait.ge [sflag:s9], $0x80  }
0x19: {  	[sflag:s9] =	ssyncset.done $0x0  }
0x1a: {  	s26 =	sadd.s32 $0x0, s12;
	[sflag:s9] =	ssyncadd.s32 $0xFFFFFF80  }
0x1b: {  	[tilespmem:s13], [sflag:$0x1] =	stream.linear.gather [hbm4b:s26+s3], $0x80, $0x38;
	[tilespmem:$0x1C300] =	vst v63  }
0x1c: {  	_ =	swait.ge [sflag:s9], $0x80  }
0x1d: {  	[sflag:s9] =	ssyncset.done $0x0  }
0x1e: {  	[sflag:s9] =	ssyncadd.s32 $0xFFFFFF80  }
0x1f: {  	v4 =	vld [tilespmem:$0x14100]  }
0x20: {  	v1 =	vld [tilespmem:$0x14120]  }
0x21: {  	v5 =	vld [tilespmem:$0x14160]  }
0x22: {  	v2 =	vld [tilespmem:$0x14140]  }
0x23: {  	s23 =	simm.s32 $0x40;
	v3 =	vld [tilespmem:$0x14030]  }
.LBB2_2:
0x24: {  	p0 =	sne.s32 s23, $0x1380;
	v6 =	vld [tilespmem:$0x14070];
	s24 =	smov.u32 s23;
	s23 =	sadd.s32 $0x40, s23  }
0x25: {  	[tilespmem:$0x14200] =	vst v4;
	v4 =	vld [tilespmem:$0x14020]  }
0x26: {  	v7 =	vld [tilespmem:$0x14010];
	[tilespmem:$0x14260] =	vst v5  }
0x27: {  	v5 =	vld [tilespmem:$0x14040];
	[tilespmem:$0x14240] =	vst v2  }
0x28: {  	v2 =	vadd.s32 v0, v3;
	v3 =	vld [tilespmem:$0x14060]  }
0x29: {  	v8 =	vld [tilespmem:$0x14000];
	[tilespmem:$0x14030] =	vst v2;
	v2 =	vadd.s32 v0, v6  }
0x2a: {  	v4 =	vadd.s32 v0, v4;
	v6 =	vld [tilespmem:$0x14150];
	[tilespmem:$0x14070] =	vst v2  }
0x2b: {  	v2 =	vadd.s32 v0, v7;
	[tilespmem:$0x14020] =	vst v4;
	v4 =	vld [tilespmem:$0x14170]  }
0x2c: {  	[tilespmem:$0x14010] =	vst v2;
	v2 =	vadd.s32 v0, v5;
	v5 =	vld [tilespmem:$0x14050]  }
0x2d: {  	v7 =	vld [tilespmem:$0x14130];
	[tilespmem:$0x14040] =	vst v2;
	v2 =	vadd.s32 v0, v3  }
0x2e: {  	v3 =	vadd.s32 v0, v8;
	v8 =	vld [tilespmem:$0x14110];
	[tilespmem:$0x14220] =	vst v1  }
0x2f: {  	[tilespmem:$0x14000] =	vst v3  }
0x30: {  	[tilespmem:$0x14060] =	vst v2  }
0x31: {  	v1 =	vadd.s32 v0, v5;
	[tilespmem:$0x14250] =	vst v6  }
0x32: {  	[tilespmem:$0x14230] =	vst v7  }
0x33: {  	[tilespmem:$0x14210] =	vst v8  }
0x34: {  	[tilespmem:$0x14050] =	vst v1  }
0x35: {  	[tilespmem:$0x14270] =	vst v4  }
0x36: {  	[tilespmem:s15], [sflag:$0x1] =	stream.indirect.gather [hbm4b:s4+s14], $0x80, s11, s14, $0xb8;
	[tilespmem:$0x1C300] =	vst v63  }
0x37: {  	_ =	swait.ge [sflag:s9], $0x4000  }
0x38: {  	[sflag:s9] =	ssyncset.done $0x0  }
0x39: {  	[sflag:s9] =	ssyncadd.s32 $0xFFFFC000  }
0x3a: {  	[spmem:s1] =	stream.indirect.scatter.add.f32 [tilespmem:s15], [sflag:$0x1], $0x80, s16, s14, $0xb8;
	[tilespmem:$0x1C300] =	vst v63  }
0x3b: {  	_ =	swait.ge [sflag:s9], $0x4000  }
0x3c: {  	[sflag:s9] =	ssyncset.done $0x0  }
0x3d: {  	s25 =	sadd.s32 $0x20, s25;
	[sflag:s9] =	ssyncadd.s32 $0xFFFFC000  }
0x3e: {  	[tilespmem:s17], [sflag:$0x1] =	stream.linear.gather [hbm4b:s25+s3], $0x80, $0x38;
	[tilespmem:$0x1C300] =	vst v63  }
0x3f: {  	_ =	swait.ge [sflag:s9], $0x80  }
0x40: {  	[sflag:s9] =	ssyncset.done $0x0  }
0x41: {  	s25 =	sadd.s32 $0x20, s26;
	[sflag:s9] =	ssyncadd.s32 $0xFFFFFF80  }
0x42: {  	[tilespmem:s18], [sflag:$0x1] =	stream.linear.gather [hbm4b:s25+s3], $0x80, $0x38;
	[tilespmem:$0x1C300] =	vst v63  }
0x43: {  	_ =	swait.ge [sflag:s9], $0x80  }
0x44: {  	[sflag:s9] =	ssyncset.done $0x0  }
0x45: {  	[sflag:s9] =	ssyncadd.s32 $0xFFFFFF80  }
0x46: {  	v1 =	vld [tilespmem:$0x141E0]  }
0x47: {  	v2 =	vld [tilespmem:$0x14090]  }
0x48: {  	v3 =	vld [tilespmem:$0x140A0]  }
0x49: {  	v4 =	vld [tilespmem:$0x140B0]  }
0x4a: {  	v5 =	vld [tilespmem:$0x140C0]  }
0x4b: {  	v6 =	vld [tilespmem:$0x140D0];
	[tilespmem:$0x142E0] =	vst v1  }
0x4c: {  	v1 =	vadd.s32 v0, v2;
	v2 =	vld [tilespmem:$0x140F0]  }
0x4d: {  	v7 =	vld [tilespmem:$0x14180];
	[tilespmem:$0x14090] =	vst v1;
	v1 =	vadd.s32 v0, v3  }
0x4e: {  	v3 =	vld [tilespmem:$0x14190];
	[tilespmem:$0x140A0] =	vst v1;
	v1 =	vadd.s32 v0, v4  }
0x4f: {  	v4 =	vld [tilespmem:$0x141A0];
	[tilespmem:$0x140B0] =	vst v1;
	v1 =	vadd.s32 v0, v5  }
0x50: {  	v5 =	vld [tilespmem:$0x141B0];
	[tilespmem:$0x140C0] =	vst v1;
	v1 =	vadd.s32 v0, v6  }
0x51: {  	v6 =	vld [tilespmem:$0x141C0];
	[tilespmem:$0x140D0] =	vst v1;
	v1 =	vadd.s32 v0, v2  }
0x52: {  	v2 =	vld [tilespmem:$0x140E0];
	[tilespmem:$0x140F0] =	vst v1  }
0x53: {  	[tilespmem:$0x14290] =	vst v3;
	v1 =	vld [tilespmem:$0x141D0]  }
0x54: {  	v3 =	vld [tilespmem:$0x14080];
	[tilespmem:$0x142A0] =	vst v4  }
0x55: {  	[tilespmem:$0x142B0] =	vst v5;
	v4 =	vld [tilespmem:$0x141F0]  }
0x56: {  	[tilespmem:$0x142C0] =	vst v6  }
0x57: {  	[tilespmem:$0x14280] =	vst v7;
	v2 =	vadd.s32 v0, v2  }
0x58: {  	[tilespmem:$0x140E0] =	vst v2  }
0x59: {  	v2 =	vadd.s32 v0, v3;
	[tilespmem:$0x142D0] =	vst v1  }
0x5a: {  	[tilespmem:$0x14080] =	vst v2  }
0x5b: {  	[tilespmem:$0x142F0] =	vst v4  }
0x5c: {  	[tilespmem:s19], [sflag:$0x1] =	stream.indirect.gather [hbm4b:s4+s14], $0x80, s17, s14, $0xb8;
	[tilespmem:$0x1C300] =	vst v63  }
0x5d: {  	_ =	swait.ge [sflag:s9], $0x4000  }
0x5e: {  	[sflag:s9] =	ssyncset.done $0x0  }
0x5f: {  	[sflag:s9] =	ssyncadd.s32 $0xFFFFC000  }
0x60: {  	[spmem:s1] =	stream.indirect.scatter.add.f32 [tilespmem:s19], [sflag:$0x1], $0x80, s20, s14, $0xb8;
	[tilespmem:$0x1C300] =	vst v63  }
0x61: {  	_ =	swait.ge [sflag:s9], $0x4000  }
0x62: {  	[sflag:s9] =	ssyncset.done $0x0  }
0x63: {  	s25 =	sadd.s32 s24, s10;
	[sflag:s9] =	ssyncadd.s32 $0xFFFFC000  }
0x64: {  	[tilespmem:s11], [sflag:$0x1] =	stream.linear.gather [hbm4b:s25+s3], $0x80, $0x38;
	[tilespmem:$0x1C300] =	vst v63  }
0x65: {  	_ =	swait.ge [sflag:s9], $0x80  }
0x66: {  	[sflag:s9] =	ssyncset.done $0x0  }
0x67: {  	s26 =	sadd.s32 s24, s12;
	[sflag:s9] =	ssyncadd.s32 $0xFFFFFF80  }
0x68: {  	[tilespmem:s13], [sflag:$0x1] =	stream.linear.gather [hbm4b:s26+s3], $0x80, $0x38;
	[tilespmem:$0x1C300] =	vst v63  }
0x69: {  	_ =	swait.ge [sflag:s9], $0x80  }
0x6a: {  	[sflag:s9] =	ssyncset.done $0x0  }
0x6b: {  	[sflag:s9] =	ssyncadd.s32 $0xFFFFFF80  }
.Ltmp0:
0x6c: {  	v4 =	vld [tilespmem:$0x14100];
	(pc) =	sbr.rel @p0 .LBB2_2-.Ltmp0, $4  }
0x6d: {  	v1 =	vld [tilespmem:$0x14120]  }
0x6e: {  	v5 =	vld [tilespmem:$0x14160]  }
0x6f: {  	v2 =	vld [tilespmem:$0x14140]  }
0x70: {  	v3 =	vld [tilespmem:$0x14030]  }
0x71: {  	v6 =	vld [tilespmem:$0x14070]  }
0x72: {  	[tilespmem:$0x14200] =	vst v4;
	v54 =	vld [tilespmem:$0x14130]  }
0x73: {  	v55 =	vld [tilespmem:$0x14110];
	[tilespmem:$0x14220] =	vst v1  }
0x74: {  	v7 =	vld [tilespmem:$0x14020];
	[tilespmem:$0x14260] =	vst v5  }
0x75: {  	v49 =	vld [tilespmem:$0x14010];
	[tilespmem:$0x14240] =	vst v2;
	v2 =	vadd.s32 v0, v3  }
0x76: {  	v3 =	vld [tilespmem:$0x14000];
	[tilespmem:$0x14030] =	vst v2  }
0x77: {  	v50 =	vld [tilespmem:$0x14040];
	[tilespmem:$0x14230] =	vst v54  }
0x78: {  	v51 =	vld [tilespmem:$0x14060];
	v2 =	vadd.s32 v0, v6;
	[tilespmem:$0x14210] =	vst v55  }
0x79: {  	v53 =	vld [tilespmem:$0x14050];
	v7 =	vadd.s32 v0, v7;
	[tilespmem:$0x14070] =	vst v2  }
0x7a: {  	v4 =	vadd.s32 v0, v49;
	[tilespmem:$0x14020] =	vst v7  }
0x7b: {  	v2 =	vld [tilespmem:$0x14150];
	[tilespmem:$0x14010] =	vst v4;
	v3 =	vadd.s32 v0, v3  }
0x7c: {  	v52 =	vadd.s32 v0, v50;
	[tilespmem:$0x14000] =	vst v3;
	v3 =	vld [tilespmem:$0x14170]  }
0x7d: {  	v1 =	vadd.s32 v0, v51;
	[tilespmem:$0x14040] =	vst v52  }
0x7e: {  	[tilespmem:$0x14060] =	vst v1;
	v1 =	vadd.s32 v0, v53  }
0x7f: {  	[tilespmem:$0x14050] =	vst v1  }
0x80: {  	[tilespmem:$0x14250] =	vst v2  }
0x81: {  	[tilespmem:$0x14270] =	vst v3  }
0x82: {  	[tilespmem:s15], [sflag:$0x1] =	stream.indirect.gather [hbm4b:s4+s14], $0x80, s11, s14, $0xb8;
	[tilespmem:$0x1C300] =	vst v63  }
0x83: {  	_ =	swait.ge [sflag:s9], $0x4000  }
0x84: {  	[sflag:s9] =	ssyncset.done $0x0  }
0x85: {  	[sflag:s9] =	ssyncadd.s32 $0xFFFFC000  }
0x86: {  	[spmem:s1] =	stream.indirect.scatter.add.f32 [tilespmem:s15], [sflag:$0x1], $0x80, s16, s14, $0xb8;
	[tilespmem:$0x1C300] =	vst v63  }
0x87: {  	_ =	swait.ge [sflag:s9], $0x4000  }
0x88: {  	[sflag:s9] =	ssyncset.done $0x0  }
0x89: {  	s23 =	sadd.s32 $0x20, s25;
	[sflag:s9] =	ssyncadd.s32 $0xFFFFC000  }
0x8a: {  	[tilespmem:s17], [sflag:$0x1] =	stream.linear.gather [hbm4b:s23+s3], $0x80, $0x38;
	[tilespmem:$0x1C300] =	vst v63  }
0x8b: {  	_ =	swait.ge [sflag:s9], $0x80  }
0x8c: {  	[sflag:s9] =	ssyncset.done $0x0  }
0x8d: {  	s31 =	sadd.s32 $0x20, s26;
	[sflag:s9] =	ssyncadd.s32 $0xFFFFFF80  }
0x8e: {  	[tilespmem:s18], [sflag:$0x1] =	stream.linear.gather [hbm4b:s31+s3], $0x80, $0x38;
	[tilespmem:$0x1C300] =	vst v63  }
0x8f: {  	_ =	swait.ge [sflag:s9], $0x80  }
0x90: {  	[sflag:s9] =	ssyncset.done $0x0  }
0x91: {  	[sflag:s9] =	ssyncadd.s32 $0xFFFFFF80  }
0x92: {  	v1 =	vld [tilespmem:$0x141E0]  }
0x93: {  	v2 =	vld [tilespmem:$0x14090]  }
0x94: {  	v60 =	vld [tilespmem:$0x141A0]  }
0x95: {  	v61 =	vld [tilespmem:$0x141B0]  }
0x96: {  	v3 =	vld [tilespmem:$0x140A0]  }
0x97: {  	v56 =	vld [tilespmem:$0x140B0]  }
0x98: {  	v57 =	vld [tilespmem:$0x140C0];
	[tilespmem:$0x142E0] =	vst v1  }
0x99: {  	v58 =	vld [tilespmem:$0x140D0];
	[tilespmem:$0x142A0] =	vst v60  }
0x9a: {  	v1 =	vadd.s32 v0, v2;
	v2 =	vld [tilespmem:$0x140F0];
	[tilespmem:$0x142B0] =	vst v61  }
0x9b: {  	v59 =	vld [tilespmem:$0x14180];
	[tilespmem:$0x14090] =	vst v1;
	v1 =	vadd.s32 v0, v3  }
0x9c: {  	v3 =	vld [tilespmem:$0x14190];
	[tilespmem:$0x140A0] =	vst v1;
	v1 =	vadd.s32 v0, v56  }
0x9d: {  	v62 =	vld [tilespmem:$0x141C0];
	[tilespmem:$0x140B0] =	vst v1;
	v1 =	vadd.s32 v0, v57  }
0x9e: {  	v63 =	vld [tilespmem:$0x141F0];
	[tilespmem:$0x140C0] =	vst v1;
	v1 =	vadd.s32 v0, v58  }
0x9f: {  	[tilespmem:$0x140D0] =	vst v1;
	v1 =	vadd.s32 v0, v2;
	v2 =	vld [tilespmem:$0x140E0]  }
0xa0: {  	[tilespmem:$0x140F0] =	vst v1;
	v1 =	vld [tilespmem:$0x141D0]  }
0xa1: {  	[tilespmem:$0x14290] =	vst v3;
	v3 =	vld [tilespmem:$0x14080]  }
0xa2: {  	[tilespmem:$0x142C0] =	vst v62  }
0xa3: {  	[tilespmem:$0x14280] =	vst v59  }
0xa4: {  	[tilespmem:$0x142F0] =	vst v63;
	v2 =	vadd.s32 v0, v2  }
0xa5: {  	[tilespmem:$0x140E0] =	vst v2  }
0xa6: {  	v2 =	vadd.s32 v0, v3;
	[tilespmem:$0x142D0] =	vst v1  }
0xa7: {  	[tilespmem:$0x14080] =	vst v2  }
0xa8: {  	[tilespmem:s19], [sflag:$0x1] =	stream.indirect.gather [hbm4b:s4+s14], $0x80, s17, s14, $0xb8;
	[tilespmem:$0x1C300] =	vst v63  }
0xa9: {  	_ =	swait.ge [sflag:s9], $0x4000  }
0xaa: {  	[sflag:s9] =	ssyncset.done $0x0  }
0xab: {  	[sflag:s9] =	ssyncadd.s32 $0xFFFFC000  }
0xac: {  	[spmem:s1] =	stream.indirect.scatter.add.f32 [tilespmem:s19], [sflag:$0x1], $0x80, s20, s14, $0xb8;
	[tilespmem:$0x1C300] =	vst v63  }
0xad: {  	_ =	swait.ge [sflag:s9], $0x4000  }
0xae: {  	[sflag:s9] =	ssyncset.done $0x0  }
0xaf: {  	[sflag:s9] =	ssyncadd.s32 $0xFFFFC000  }
0xb0: {  	[bflag:$0x0] =	sbarrier.arrive $0xFFFF  }
0xb1: {  	_ =	sdelay $0x7ff  }
0xb2: {  	_ =	sdelay $0x7ff  }
0xb3: {  	_ =	sdelay $0x7ff  }
0xb4: {  	_ =	sdelay $0x7ff  }
0xb5: {  	_ =	sdelay $0x7ff  }
0xb6: {  	_ =	sdelay $0x7ff  }
0xb7: {  	_ =	sdelay $0x7ff  }
0xb8: {  	_ =	sdelay $0x7ff  }
0xb9: {  	_ =	sdelay $0x7ff  }
0xba: {  	_ =	sdelay $0x7ff  }
0xbb: {  	_ =	sdelay $0x7ff  }
0xbc: {  	_ =	sdelay $0x7ff  }
0xbd: {  	_ =	sdelay $0x7ff  }
0xbe: {  	_ =	sdelay $0x7ff  }
0xbf: {  	_ =	sdelay $0x7ff  }
0xc0: {  	_ =	sdelay $0x7ff  }
0xc1: {  	_ =	sdelay $0x7ff  }
0xc2: {  	s22 =	sadd.s32 $0x1, s22;
	_ =	sdelay $0x7ff  }
0xc3: {  	p0 =	sne.s32 s22, s7;
	_ =	sdelay $0xc9  }
.Ltmp1:
0xc4: {  	[bflag:$0x0] =	sbarrier.arrive $0xFFFF;
	(pc) =	sbr.rel @p0 .LBB2_1-.Ltmp1, $4  }
0xc5: {  	[hbm:s21], [sflag:s6] =	dma.local [spmem:s8], $0x2800  }
0xc6: {  	_ =	swait.ge [sflag:s9], $0x2800  }
0xc7: {  	[sflag:s9] =	ssyncset.done $0x0  }
0xc8: {  	[sflag:s9] =	ssyncadd.s32 $0xFFFFD800  }
0xc9: {  	_ =	sfence.sel $0x180000  }
0xca: {  	[bflag:$0x0] =	sbarrier.arrive $0xFFFF  }
0xcb: {  	p0 =	sne.s32 s2, $0x0;
	_ =	strace $0x9000004D  }
0xcc: {  	s0 =	sadd.s32 @!p0 $0x100000, s0;
	[bflag:$0x2] =	sbarrier.arrive $0xFFFF  }
0xcd: {  	[sflag:s0] =	ssyncadd.tile.s32 @!p0 $0x1;
	_ =	shalt  }
.Lfunc_end2:
_tile_overlayer_lowered:
.L_overlay_start_2:
0xce: {  	(tag) =	ssettag $0x2  }
0xcf: {  	s0 =	rddreg [dreg:$0x0];
	s2 =	stileid.u32  }
0xd0: {  	s1 =	rddreg [dreg:$0x1];
	p0 =	sne.s32 s2, $0x0  }
0xd1: {  	s3 =	rddreg [dreg:$0x2];
	[bflag:$0x3] =	sbarrier.arrive $0xFFFF;
	s2 =	simm.s32 @!p0 $0x1C01  }
0xd2: {  	[timem:s3], [sflag:s2] =	dma.local @!p0 [hbm:s0], s1  }
0xd3: {  	s0 =	simm.s32 @!p0 $0x1  }
0xd4: {  	_ =	swait.ge @!p0 [sflag:s0], s1  }
0xd5: {  	s1 =	ssub.s32 @!p0 $0x0, s1;
	[sflag:s0] =	ssyncset.done @!p0 $0x0  }
0xd6: {  	[sflag:s0] =	ssyncadd.s32 @!p0 s1  }
0xd7: {  	[bflag:$0x3] =	sbarrier.arrive $0xFFFF  }
0xd8: {  	_ =	shalt  }

// kernel: kernel.19.cloned.1.call-start
scs
__scs_entry_jumppad:
0x0: {  	(pc) =	sbr.rel $0x88, $3  }
0x1: {  	(tag) =	ssettag $0x0;
	lr =	simm.s32 $0x1  }
0x2: {  	[smem:$0x3F93] =	sst lr;
	_ =	strace $0xD0000000  }
0x3: {  	_ = 	snop  }
0x4: {  	_ = 	snop  }
0x5: {  	_ = 	snop  }
0x6: {  	_ = 	snop  }
0x7: {  	_ = 	snop  }
__scs_overlays_trampoline_lowered:
0x8: {  	[smem:$0x3FA2] =	sst s0  }
0x9: {  	[smem:$0x3FA3] =	sst s1  }
0xa: {  	[smem:$0x3FA4] =	sst s2  }
0xb: {  	[smem:$0x3FA5] =	sst s3  }
0xc: {  	[smem:$0x3FA6] =	sst s4  }
0xd: {  	[smem:$0x3FA7] =	sst s5  }
0xe: {  	[smem:$0x3FA8] =	sst s6  }
0xf: {  	[smem:$0x3FA9] =	sst s7  }
0x10: {  	[smem:$0x3FAA] =	sst s8  }
0x11: {  	[smem:$0x3FAB] =	sst s9;
	s0 =	simm.s32 @!p0 $0x0  }
0x12: {  	s1 =	sld [smem:$0x3F91];
	s0 =	simm.s32 @p0 $0x1  }
0x13: {  	[smem:$0x3FAC] =	sst s0;
	s0 =	simm.s32 @!p1 $0x0  }
0x14: {  	s2 =	sld [smem:$0x3F90];
	s0 =	simm.s32 @p1 $0x1  }
0x15: {  	[smem:$0x3FAD] =	sst s0;
	s0 =	simm.s32 @!p2 $0x0  }
0x16: {  	s3 =	sld [smem:$0x3FDB];
	s0 =	simm.s32 @p2 $0x1  }
0x17: {  	s4 =	simm.s32 $0x1BF5;
	[smem:$0x3FAF] =	sst s0  }
0x18: {  	s0 =	sld [smem:$0x3F92];
	_ =	swait.ge [sflag:s4], $0x0  }
0x19: {  	s7 =	sld [smem:$0x3F93]  }
0x1a: {  	s8 =	sadd.s32 $0xFFFFE003, lr  }
0x1b: {  	s9 =	sadd.s32 $0xFFFFFEF7, lr;
	s5 =	simm.s32 $0xFFFFFFFF;
	p2 =	slt.u32 s8, $0xFFFFF086  }
0x1c: {  	p1 =	slt.u32 s9, $0xF7A;
	s5 =	simm.s32 @!p2 $0x0  }
0x1d: {  	s5 =	simm.s32 @p1 $0x1;
	p0 =	seq.s32 s7, s2  }
0x1e: {  	s7 =	smul.u32 @!p0 $0xF7A, s2;
	p2 =	seq.s32 @!p0 s5, $0x0  }
0x1f: {  	s9 =	smul.u32 $0xF7A, s1;
	s8 =	simm.s32 @!p0 $0x1BF5;
	p2 =	por !p2, p0  }
0x20: {  	[sflag:s8] =	ssyncset.s32 @!p0 $0xFFFFF086;
	s6 =	sadd.s32 @!p0 s3, s7;
	s7 =	simm.s32 @!p0 $0x108  }
0x21: {  	s3 =	sadd.s32 s3, s9;
	s6 =	sadd.s32 @!p0 $0x88, s6;
	s7 =	simm.s32 @p2 $0x1082  }
0x22: {  	[simem:s7], [sflag:s8] =	dma.local @!p0 [hbm:s6], $0xF7A  }
0x23: {  	s9 =	sor.u32 $0xD0000000, s2;
	s6 =	simm.s32 $0x108;
	_ =	swait.ge @!p0 [sflag:s8], $0x0  }
0x24: {  	s3 =	sadd.s32 $0x88, s3;
	s6 =	simm.s32 @!p1 $0x1082;
	[sflag:s4] =	ssyncset.s32 $0xFFFFF086  }
0x25: {  	[simem:s6], [sflag:s4] =	dma.local [hbm:s3], $0xF7A  }
0x26: {  	[smem:$0x3F93] =	sst s1;
	(tag) =	ssettag s2;
	_ =	strace s9  }
0x27: {  	s1 =	sld [smem:$0x3FA3]  }
0x28: {  	s2 =	sld [smem:$0x3FA4]  }
0x29: {  	s4 =	sld [smem:$0x3FA6]  }
0x2a: {  	p0 =	seq.s32 s5, $0x0;
	s5 =	sld [smem:$0x3FA7]  }
0x2b: {  	s6 =	sld [smem:$0x3FA8]  }
0x2c: {  	s7 =	sld [smem:$0x3FA9]  }
0x2d: {  	s3 =	simm.s32 $0x108;
	s8 =	sld [smem:$0x3FAA]  }
0x2e: {  	s3 =	simm.s32 @!p0 $0x1082;
	s9 =	sld [smem:$0x3FAB]  }
0x2f: {  	lr =	sadd.s32 s0, s3;
	s0 =	sld [smem:$0x3FA2]  }
0x30: {  	s3 =	sld [smem:$0x3FA5]  }
0x31: {  	[smem:$0x3FAE] =	sst s10  }
0x32: {  	s10 =	sld [smem:$0x3FAC];
	_ =	sdelay $0x3  }
0x33: {  	p0 =	seq.s32 s10, $0x1;
	s10 =	sld [smem:$0x3FAE];
	_ =	sdelay $0x3  }
0x34: {  	[smem:$0x3FAE] =	sst s10  }
0x35: {  	s10 =	sld [smem:$0x3FAD];
	_ =	sdelay $0x3  }
0x36: {  	p1 =	seq.s32 s10, $0x1;
	s10 =	sld [smem:$0x3FAE];
	_ =	sdelay $0x3  }
0x37: {  	[smem:$0x3FAE] =	sst s10  }
0x38: {  	s10 =	sld [smem:$0x3FAF]  }
0x39: {  	_ = 	snop;
	(pc) =	sbr.ind lr, $3  }
0x3a: {  	_ = 	snop  }
0x3b: {  	_ = 	snop  }
0x3c: {  	p2 =	seq.s32 s10, $0x1;
	s10 =	sld [smem:$0x3FAE]  }
0x3d: {  	_ =	shalt  }
0x3e: {  	_ =	shalt  }
0x3f: {  	_ =	shalt  }
0x40: {  	_ =	shalt  }
0x41: {  	_ =	shalt  }
0x42: {  	_ =	shalt  }
0x43: {  	_ =	shalt  }
0x44: {  	_ =	shalt  }
0x45: {  	_ =	shalt  }
0x46: {  	_ =	shalt  }
0x47: {  	_ =	shalt  }
0x48: {  	_ =	shalt  }
0x49: {  	_ =	shalt  }
0x4a: {  	_ =	shalt  }
0x4b: {  	_ =	shalt  }
0x4c: {  	_ =	shalt  }
0x4d: {  	_ =	shalt  }
0x4e: {  	_ =	shalt  }
0x4f: {  	_ =	shalt  }
0x50: {  	_ =	shalt  }
0x51: {  	_ =	shalt  }
0x52: {  	_ =	shalt  }
0x53: {  	_ =	shalt  }
0x54: {  	_ =	shalt  }
0x55: {  	_ =	shalt  }
0x56: {  	_ =	shalt  }
0x57: {  	_ =	shalt  }
0x58: {  	_ =	shalt  }
0x59: {  	_ =	shalt  }
0x5a: {  	_ =	shalt  }
0x5b: {  	_ =	shalt  }
0x5c: {  	_ =	shalt  }
0x5d: {  	_ =	shalt  }
0x5e: {  	_ =	shalt  }
0x5f: {  	_ =	shalt  }
0x60: {  	_ =	shalt  }
0x61: {  	_ =	shalt  }
0x62: {  	_ =	shalt  }
0x63: {  	_ =	shalt  }
0x64: {  	_ =	shalt  }
0x65: {  	_ =	shalt  }
0x66: {  	_ =	shalt  }
0x67: {  	_ =	shalt  }
0x68: {  	_ =	shalt  }
0x69: {  	_ =	shalt  }
0x6a: {  	_ =	shalt  }
0x6b: {  	_ =	shalt  }
0x6c: {  	_ =	shalt  }
0x6d: {  	_ =	shalt  }
0x6e: {  	_ =	shalt  }
0x6f: {  	_ =	shalt  }
0x70: {  	_ =	shalt  }
0x71: {  	_ =	shalt  }
0x72: {  	_ =	shalt  }
0x73: {  	_ =	shalt  }
0x74: {  	_ =	shalt  }
0x75: {  	_ =	shalt  }
0x76: {  	_ =	shalt  }
0x77: {  	_ =	shalt  }
0x78: {  	_ =	shalt  }
0x79: {  	_ =	shalt  }
0x7a: {  	_ =	shalt  }
0x7b: {  	_ =	shalt  }
0x7c: {  	_ =	shalt  }
0x7d: {  	_ =	shalt  }
0x7e: {  	_ =	shalt  }
0x7f: {  	_ =	shalt  }
0x80: {  	_ =	shalt  }
0x81: {  	_ =	shalt  }
0x82: {  	_ =	shalt  }
0x83: {  	_ =	shalt  }
0x84: {  	_ =	shalt  }
0x85: {  	_ =	shalt  }
0x86: {  	_ =	shalt  }
0x87: {  	_ =	shalt  }
.Lfunc_end0:
.L_simem_size_0:
called_computation.3_lowered:
.L_overlay_start_0:
0x88: {  	s2 =	sld [smem:$0x3FD9]  }
0x89: {  	s3 =	sld [smem:$0x3FFE];
	_ =	sdelay $0x1  }
0x8a: {  	s1 =	srdreg.scid  }
0x8b: {  	s0 =	sand.u32 $0x1, s1  }
0x8c: {  	s17 =	sshll.u32 s0, $0xA;
	s2 =	sadd.s32 s3, s2  }
0x8d: {  	s2 =	sadd.s32 s2, s17  }
0x8e: {  	[smem:$0x3FBA] =	sst s2  }
0x8f: {  	_ = 	snop  }
0x90: {  	s2 =	sld [smem:$0x3FC6];
	(tm) =	ssettm $0x1  }
0x91: {  	s18 =	sld [smem:$0x3FFB];
	_ =	sdelay $0x3  }
0x92: {  	_ =	strace s18  }
0x93: {  	s3 =	sld [smem:$0x3FFC];
	_ =	sdelay $0x3  }
0x94: {  	_ =	strace s3  }
0x95: {  	s3 =	sld [smem:$0x3FFD];
	_ =	sdelay $0x3  }
0x96: {  	_ =	strace s3  }
0x97: {  	_ =	strace $0x8FFFFFFF  }
0x98: {  	s19 =	sld [smem:$0x3FDB];
	_ =	sdelay $0x1  }
0x99: {  	s4 =	simm.s32 $_scs_section_size  }
0x9a: {  	s5 =	simm.s32 $_size__tile_overlayer_lowered;
	s6 =	simm.s32 $_tile_overlayer_lowered  }
0x9b: {  	s22 =	simm.s32 $0x1BFF;
	s21 =	sshll.u32 s6, $0x1;
	s3 =	sadd.s32 s4, s19  }
0x9c: {  	s7 =	simm.s32 $0x0;
	s20 =	sshll.u32 s5, $0x1;
	s5 =	sadd.s32 s21, s3  }
0x9d: {  	[timem:s7], [sflag:s22] =	dma.local [hbm:s5], s20  }
0x9e: {  	_ =	swait.ge [sflag:s22], s20  }
0x9f: {  	s4 =	ssub.s32 $0x0, s20;
	[sflag:s22] =	ssyncset.done $0x0  }
0xa0: {  	[sflag:s22] =	ssyncadd.s32 s4;
	_ =	sdelay $0x1  }
0xa1: {  	s23 =	simm.s32 $0x1B8B  }
0xa2: {  	_ =	swait.ge [sflag:s23], $0x1  }
0xa3: {  	[sflag:s23] =	ssyncset.done $0x0  }
0xa4: {  	s25 =	simm.s32 $0x1B8E;
	s24 =	sld [smem:$0x3FFE];
	[sflag:s23] =	ssyncadd.s32 $0xFFFFFFFF  }
0xa5: {  	s26 =	simm.s32 $execute0_lowered;
	[smem:$0x3FD2] =	sst s25  }
0xa6: {  	s5 =	sshll.u32 s26, $0x1;
	_ =	strace $0x8000004F;
	[dreg:$0x1] =	wrdreg $0xFFFFFFFF  }
0xa7: {  	s28 =	simm.s32 $_size_execute0_lowered;
	s3 =	sadd.s32 s3, s5;
	[dreg:$0x0] =	wrdreg $0x0  }
0xa8: {  	s5 =	sshll.u32 s28, $0x1;
	[dreg:$0x2] =	wrdreg s3  }
0xa9: {  	[dreg:$0x3] =	wrdreg s5  }
0xaa: {  	[dreg:$0x4] =	wrdreg $0xC0  }
0xab: {  	_ =	task [dreg:s7], $0x5FFFF  }
0xac: {  	[dreg:$0x1] =	wrdreg $0xFFFFFFFF  }
0xad: {  	[dreg:$0x0] =	wrdreg $0x60  }
0xae: {  	[dreg:$0x2] =	wrdreg s24  }
0xaf: {  	[dreg:$0x3] =	wrdreg s2  }
0xb0: {  	[dreg:$0x4] =	wrdreg $0x9  }
0xb1: {  	_ =	task.clear_ibuf [dreg:s7], $0x5FFFF;
	_ =	strace $0x9000004F  }
0xb2: {  	s29 =	simm.s32 $0x9;
	_ =	strace $0x80000051  }
0xb3: {  	_ =	swait.ge [sflag:s29], $0x1  }
0xb4: {  	[sflag:s29] =	ssyncadd.s32 $0xFFFFFFFF  }
0xb5: {  	_ =	strace $0x90000051  }
0xb6: {  	_ =	sfence  }
0xb7: {  	s30 =	sld [smem:$0x0];
	_ =	sdelay $0x2  }
0xb8: {  	s31 =	sshll.u32 s1, $0xD;
	s1 =	sshrl.u32 s1, $0x2  }
0xb9: {  	s3 =	sand.u32 $0x4000, s31;
	s1 =	sadd.s32 s1, s30  }
0xba: {  	s0 =	sor.u32 s3, s0;
	s1 =	sshll.u32 s1, $0x11  }
0xbb: {  	s0 =	sor.u32 s1, s0  }
0xbc: {  	s0 =	sadd.s32 $0x8F2B, s0  }
0xbd: {  	[sflag:s0] =	ssyncadd.remote.s32 $0x1  }
0xbe: {  	_ =	sfence.sel $0xFFFF  }
0xbf: {  	[dreg:$0x0] =	wrdreg $0xFFFFFFFF;
	(pc) =	sbr.abs _section_cstart, $3  }
0xc0: {  	[dreg:$0x1] =	wrdreg $0xFFFFFFFF  }
0xc1: {  	_ =	task.clear_ibuf [dreg:s7], $0x2FFFF;
	_ =	strace $0x9FFFFFFF  }
0xc2: {  	(tm) =	ssettm $0x7FFFFFFF  }
0xc3: {  	_ =	shalt  }
tec
execute0_lowered:
.L_overlay_start_1:
0x0: {  	(tag) =	ssettag $0x1  }
0x1: {  	s3 =	stileid.u32  }
0x2: {  	p0 =	sne.s32 s3, $0x0  }
.Ltmp0:
0x3: {  	_ = 	snop;
	(pc) =	sbr.rel @p0 .LBB2_4-.Ltmp0, $4  }
0x4: {  	s5 =	rddreg [dreg:$0x0]  }
0x5: {  	s2 =	rddreg [dreg:$0x1];
	s1 =	simm.s32 $0x0  }
0x6: {  	[smem:$0x7FF] =	sst s1  }
0x7: {  	s0 =	rddreg [dreg:$0x2];
	_ =	strace $0x80000050  }
0x8: {  	s3 =	simm.s32 $0x1  }
0x9: {  	[tilespmem:s1], [sflag:$0x1] =	stream.linear.gather [hbm4b:s2+s1], $0x80, $0x38;
	[tilespmem:$0x4080] =	vst v63  }
0xa: {  	_ =	swait.ge [sflag:s3], $0x80  }
0xb: {  	[sflag:s3] =	ssyncset.done $0x0  }
0xc: {  	[sflag:s3] =	ssyncadd.s32 $0xFFFFFF80  }
0xd: {  	s4 =	srdreg.scid;
	v1 =	vld [tilespmem:$0x70]  }
0xe: {  	s4 =	sand.u32 $0x1, s4;
	v2 =	vld [tilespmem:$0x30]  }
0xf: {  	s6 =	smul.u32 $0x2800, s4;
	v3 =	vld [tilespmem:$0x50]  }
0x10: {  	v4 =	vld [tilespmem:$0x40]  }
0x11: {  	s29 =	ssub.s32 $0x2, s4;
	v0 =	vmov s6;
	v5 =	vld [tilespmem:$0x60]  }
0x12: {  	s7 =	sshrl.u32 s29, $0x1;
	v6 =	vld [tilespmem:$0x20];
	v1 =	vadd.s32 v0, v1  }
0x13: {  	v7 =	vld [tilespmem:$0x10];
	s6 =	ssub.s32 s29, s7;
	v2 =	vadd.s32 v0, v2;
	[tilespmem:$0x70] =	vst v1  }
0x14: {  	s8 =	smax.u32 s6, $0x1;
	v1 =	vld [tilespmem:$0x0];
	[tilespmem:$0x30] =	vst v2;
	v2 =	vadd.s32 v0, v3  }
0x15: {  	p1 =	sne.s32 s8, $0x1;
	v3 =	vadd.s32 v0, v4;
	[tilespmem:$0x50] =	vst v2  }
.Ltmp1:
0x16: {  	[tilespmem:$0x40] =	vst v3;
	v2 =	vadd.s32 v0, v5;
	(pc) =	sbr.rel @!p1 .LBB2_3-.Ltmp1, $4  }
0x17: {  	v3 =	vadd.s32 v0, v6;
	[tilespmem:$0x60] =	vst v2  }
0x18: {  	s30 =	sshll.u32 s4, $0xB;
	v2 =	vadd.s32 v0, v7;
	[tilespmem:$0x20] =	vst v3  }
0x19: {  	s4 =	sadd.s32 $0x3E00, s5;
	s31 =	sadd.s32 s30, s5;
	[tilespmem:$0x10] =	vst v2;
	v1 =	vadd.s32 v0, v1  }
0x1a: {  	s5 =	sadd.s32 $0x53E00, s31;
	s6 =	simm.s32 $0x80;
	s7 =	sadd.s32 $0xFFFFFFFF, s8;
	[tilespmem:$0x0] =	vst v1  }
.LBB2_2:
0x1b: {  	[tilespmem:s6], [sflag:$0x1] =	stream.indirect.gather [hbm4b:s4+s6], $0x80, s1, s6, $0xb8;
	[tilespmem:$0x4080] =	vst v63  }
0x1c: {  	p1 =	sne.s32 s7, $0x1;
	s7 =	sadd.s32 $0xFFFFFFFF, s7;
	_ =	swait.ge [sflag:s3], $0x4000  }
0x1d: {  	[sflag:s3] =	ssyncset.done $0x0  }
0x1e: {  	[sflag:s3] =	ssyncadd.s32 $0xFFFFC000  }
0x1f: {  	[hbm4b:s5+s1] =	stream.linear.scatter [tilespmem:s6], [sflag:$0x1], $0x4000, $0x38;
	[tilespmem:$0x4080] =	vst v63  }
0x20: {  	_ =	swait.ge [sflag:s3], $0x4000  }
0x21: {  	[sflag:s3] =	ssyncset.done $0x0  }
0x22: {  	[sflag:s3] =	ssyncadd.s32 $0xFFFFC000  }
0x23: {  	[tilespmem:s1], [sflag:$0x1] =	stream.linear.gather [hbm4b:s2+s1], $0x80, $0x38;
	[tilespmem:$0x4080] =	vst v63  }
0x24: {  	_ =	swait.ge [sflag:s3], $0x80  }
0x25: {  	[sflag:s3] =	ssyncset.done $0x0  }
0x26: {  	[sflag:s3] =	ssyncadd.s32 $0xFFFFFF80  }
0x27: {  	v1 =	vld [tilespmem:$0x70]  }
0x28: {  	v2 =	vld [tilespmem:$0x30]  }
0x29: {  	v3 =	vld [tilespmem:$0x50]  }
0x2a: {  	v4 =	vld [tilespmem:$0x40]  }
0x2b: {  	v5 =	vld [tilespmem:$0x60]  }
0x2c: {  	v6 =	vld [tilespmem:$0x20];
	v1 =	vadd.s32 v0, v1  }
0x2d: {  	v7 =	vld [tilespmem:$0x10];
	v2 =	vadd.s32 v0, v2;
	[tilespmem:$0x70] =	vst v1  }
0x2e: {  	v1 =	vld [tilespmem:$0x0];
	[tilespmem:$0x30] =	vst v2;
	v2 =	vadd.s32 v0, v3  }
0x2f: {  	v3 =	vadd.s32 v0, v4;
	[tilespmem:$0x50] =	vst v2  }
.Ltmp2:
0x30: {  	[tilespmem:$0x40] =	vst v3;
	v2 =	vadd.s32 v0, v5;
	(pc) =	sbr.rel @p1 .LBB2_2-.Ltmp2, $4  }
0x31: {  	v3 =	vadd.s32 v0, v6;
	[tilespmem:$0x60] =	vst v2  }
0x32: {  	v2 =	vadd.s32 v0, v7;
	[tilespmem:$0x20] =	vst v3  }
0x33: {  	v1 =	vadd.s32 v0, v1;
	[tilespmem:$0x10] =	vst v2  }
0x34: {  	[tilespmem:$0x0] =	vst v1  }
.LBB2_3:
0x35: {  	[tilespmem:s6], [sflag:$0x1] =	stream.indirect.gather [hbm4b:s4+s6], $0x80, s1, s6, $0xb8;
	[tilespmem:$0x4080] =	vst v63  }
0x36: {  	_ =	swait.ge [sflag:s3], $0x4000  }
0x37: {  	[sflag:s3] =	ssyncset.done $0x0  }
0x38: {  	[sflag:s3] =	ssyncadd.s32 $0xFFFFC000  }
0x39: {  	[hbm4b:s5+s1] =	stream.linear.scatter [tilespmem:s6], [sflag:$0x1], $0x4000, $0x38;
	[tilespmem:$0x4080] =	vst v63  }
0x3a: {  	_ =	swait.ge [sflag:s3], $0x4000  }
0x3b: {  	[sflag:s3] =	ssyncset.done $0x0  }
0x3c: {  	[sflag:s3] =	ssyncadd.s32 $0xFFFFC000  }
.LBB2_4:
0x3d: {  	_ =	sfence.sel $0x180000  }
0x3e: {  	[bflag:$0x0] =	sbarrier.arrive $0xFFFF  }
0x3f: {  	_ =	strace $0x90000050  }
0x40: {  	s0 =	sadd.s32 @!p0 $0x100000, s0;
	[bflag:$0x2] =	sbarrier.arrive $0xFFFF  }
0x41: {  	[sflag:s0] =	ssyncadd.tile.s32 @!p0 $0x1;
	_ =	shalt  }
.Lfunc_end2:
_tile_overlayer_lowered:
.L_overlay_start_2:
0x42: {  	(tag) =	ssettag $0x2  }
0x43: {  	s0 =	rddreg [dreg:$0x0];
	s2 =	stileid.u32  }
0x44: {  	s1 =	rddreg [dreg:$0x1];
	p0 =	sne.s32 s2, $0x0  }
0x45: {  	s3 =	rddreg [dreg:$0x2];
	[bflag:$0x3] =	sbarrier.arrive $0xFFFF;
	s2 =	simm.s32 @!p0 $0x1C01  }
0x46: {  	[timem:s3], [sflag:s2] =	dma.local @!p0 [hbm:s0], s1  }
0x47: {  	s0 =	simm.s32 @!p0 $0x1  }
0x48: {  	_ =	swait.ge @!p0 [sflag:s0], s1  }
0x49: {  	s1 =	ssub.s32 @!p0 $0x0, s1;
	[sflag:s0] =	ssyncset.done @!p0 $0x0  }
0x4a: {  	[sflag:s0] =	ssyncadd.s32 @!p0 s1  }
0x4b: {  	[bflag:$0x3] =	sbarrier.arrive $0xFFFF  }
0x4c: {  	_ =	shalt  }

</sc_bundles>
